<compile_context>
chip_gen: v7x
topology: tpu7x:2x2x1
jax: 0.10.2.dev20260603
libtpu: 0.0.44.dev20260713+nightly
codegen_flags: <defaults>
</compile_context>

<pallas_src>
import functools

import jax
import jax.numpy as jnp
from jax import lax
from jax.experimental import pallas as pl
from jax.experimental.pallas import tpu as pltpu
from jax.experimental.pallas import tpu_sc as plsc

_RADIUS = 0.1
_K = 16
_STRIDE = 4


def _topk_body(pos_ref, gidx_ref, sidx_ref, nbrd_ref):
    b = pl.program_id(0)
    p = pos_ref[0]
    n = p.shape[0]
    c3 = p.reshape(n // _STRIDE, _STRIDE, 3)[:, 0, :]
    cT = jnp.transpose(c3, (1, 0))
    x, y, z = p[:, 0:1], p[:, 1:2], p[:, 2:3]
    cx, cy, cz = cT[0:1, :], cT[1:2, :], cT[2:3, :]
    sq = (x * x + y * y) + z * z
    csq = (cx * cx + cy * cy) + cz * cz
    dot = jnp.dot(p, cT, preferred_element_type=jnp.float32)
    d2 = (sq + csq) - 2.0 * dot
    d2 = jnp.maximum(d2, 0.0)
    kx = jnp.floor(x / _RADIUS)
    ky = jnp.floor(y / _RADIUS)
    kz = jnp.floor(z / _RADIUS)
    ckx = jnp.floor(cx / _RADIUS)
    cky = jnp.floor(cy / _RADIUS)
    ckz = jnp.floor(cz / _RADIUS)
    cheb = jnp.maximum(jnp.maximum(jnp.abs(kx - ckx), jnp.abs(ky - cky)),
                       jnp.abs(kz - ckz))
    vals = jnp.where(cheb <= 1.0, d2, 1e9)
    iota0 = lax.broadcasted_iota(jnp.int32, vals.shape, 0).astype(jnp.float32)
    for k in range(_K):
        m = jnp.min(vals, axis=0, keepdims=True)
        cand = jnp.where(vals == m, iota0, jnp.float32(n))
        ji = jnp.min(cand, axis=0, keepdims=True)
        jii = ji.astype(jnp.int32)
        nbrd_ref[0, k:k + 1, :] = m
        sidx_ref[0, k:k + 1, :] = jii
        gidx_ref[0, k:k + 1, :] = jii + b * n
        vals = jnp.where(iota0 == ji, jnp.float32(jnp.inf), vals)


def _masked_topk(pos, n_sample):
    B, N, _ = pos.shape
    spec3 = pl.BlockSpec((1, _K, n_sample), lambda b: (b, 0, 0))
    return pl.pallas_call(
        _topk_body,
        grid=(B,),
        in_specs=[pl.BlockSpec((1, N, 3), lambda b: (b, 0, 0))],
        out_specs=[spec3, spec3, spec3],
        out_shape=[jax.ShapeDtypeStruct((B, _K, n_sample), jnp.int32),
                   jax.ShapeDtypeStruct((B, _K, n_sample), jnp.int32),
                   jax.ShapeDtypeStruct((B, _K, n_sample), jnp.float32)],
    )(pos)


def _sc_gather(table, idx):
    R, C = table.shape
    E = idx.shape[0]
    info = plsc.get_sparse_core_info()
    nc, ns = info.num_cores, info.num_subcores
    nw = nc * ns
    per_w = E // nw
    chunk = 128
    n_chunks = per_w // chunk
    mesh = plsc.VectorSubcoreMesh(core_axis_name="c", subcore_axis_name="s")

    @functools.partial(
        pl.kernel,
        mesh=mesh,
        out_type=jax.ShapeDtypeStruct((E, C), jnp.float32),
        scratch_types=[
            pltpu.VMEM((per_w,), jnp.int32),
            pltpu.VMEM((chunk, C), jnp.float32),
            pltpu.VMEM((chunk, C), jnp.float32),
            pltpu.SemaphoreType.DMA,
            pltpu.SemaphoreType.DMA,
        ],
    )
    def gather_kernel(table_hbm, idx_hbm, out_hbm, idx_v, rows_a, rows_b,
                      sem_a, sem_b):
        wid = lax.axis_index("s") * nc + lax.axis_index("c")
        base = wid * per_w
        pltpu.sync_copy(idx_hbm.at[pl.ds(base, per_w)], idx_v)
        bufs = (rows_a, rows_b)
        sems = (sem_a, sem_b)

        def start(c):
            return pltpu.async_copy(
                table_hbm.at[idx_v.at[pl.ds(c * chunk, chunk)]],
                bufs[c % 2], sems[c % 2])

        cp = start(0)
        for c in range(n_chunks):
            nxt = start(c + 1) if c + 1 < n_chunks else None
            cp.wait()
            pltpu.sync_copy(bufs[c % 2],
                            out_hbm.at[pl.ds(base + c * chunk, chunk)])
            cp = nxt

    return gather_kernel(table, idx)


def kernel(pos, feat):
    B, N, D = pos.shape
    C = feat.shape[-1]
    n_sample = N // _STRIDE
    gidx, sidx, nbrd = _masked_topk(pos, n_sample)
    src_idx = jnp.transpose(sidx, (0, 2, 1))
    nbr_d = jnp.transpose(nbrd, (0, 2, 1))
    flat_idx = jnp.transpose(gidx, (0, 2, 1)).reshape(-1)
    nbr_feat = _sc_gather(feat.reshape(B * N, C), flat_idx)
    nbr_feat = nbr_feat.reshape(B, n_sample, _K, C)
    out = jnp.concatenate([nbr_feat, nbr_d[..., None]], axis=-1)
    centers = (jnp.arange(n_sample, dtype=jnp.int32) * _STRIDE)
    dst_idx = jnp.broadcast_to(centers[None, :, None], src_idx.shape)
    return out, src_idx, dst_idx

# --- scband reference (transcript-rebuilt; emitter-appended) ---
"""Pipeline reference for scband-grid-nngraph-69337952027017 (READ-ONLY COPY).

The authoritative reference and input builder live on the scoring server;
editing this copy changes nothing except your own understanding.
"""

import jax, jax.numpy as jnp
import numpy as np

RADIUS = 0.1
N_SAMPLE = 512
N_NEIGHBOR = 16


def setup_inputs(seed: int = 0) -> dict:
    key = jax.random.key(seed)
    k1, k2 = jax.random.split(key)
    pos = jax.random.uniform(k1, (4, 2048, 3), dtype=jnp.float32)
    feat = jax.random.normal(k2, (4, 2048, 128), dtype=jnp.float32)
    return {"pos": pos, "feat": feat}


def reference(pos, feat):
    # Grid-voxel nearest-neighbor graph construction (GridNNGraph):
    # 1) voxelize points with cell size = radius (Point2Voxel)
    # 2) for each sampled center point, candidate sources are points in the
    #    3**D neighboring voxels (bin_map offsets in {-1,0,1}^D)
    # 3) pick n_neighbor nearest candidates per center (src/dst edge lists)
    B, N, D = pos.shape
    # voxel keys (integer grid coords); indices are not differentiable
    keys = jnp.floor(jax.lax.stop_gradient(pos) / RADIUS).astype(jnp.int32)
    # neighbor-voxel mask: |key_i - key_j| <= 1 in every dim (Chebyshev <= 1)
    nbr_mask = jnp.ones((B, N, N), dtype=bool)
    for d in range(D):
        kd = keys[:, :, d]
        nbr_mask = nbr_mask & (jnp.abs(kd[:, :, None] - kd[:, None, :]) <= 1)
    # dense pairwise squared distances (compute-heavy core)
    sq = jnp.sum(pos * pos, axis=-1)
    d2 = sq[:, :, None] + sq[:, None, :] - 2.0 * jnp.einsum('bnd,bmd->bnm', pos, pos)
    d2 = jnp.maximum(d2, 0.0)
    masked = jnp.where(nbr_mask, d2, 1e9)
    # deterministic stratified center sampling (stand-in for the voxel-balanced
    # random sampling loop in the original forward)
    stride = N // N_SAMPLE
    center_idx = jnp.arange(N_SAMPLE, dtype=jnp.int32) * stride  # [S]
    center_d = masked[:, center_idx, :]  # [B, S, N]
    neg_top, src_idx = jax.lax.top_k(-center_d, N_NEIGHBOR)  # [B, S, K]
    # gather distances differentiably through the dense matrix
    nbr_d = jnp.take_along_axis(center_d, src_idx, axis=2)  # [B, S, K]
    dst_idx = jnp.broadcast_to(center_idx[None, :, None], src_idx.shape)
    # gather source-point features (g.ndata['feat'] on edge sources)
    nbr_feat = jnp.take_along_axis(feat[:, None, :, :], src_idx[..., None], axis=2)  # [B, S, K, C]
    out = jnp.concatenate([nbr_feat, nbr_d[..., None]], axis=-1)  # [B, S, K, C+1]
    return out, src_idx, dst_idx

if __name__ == "__main__":
    import jax
    _d = setup_inputs()
    print(jax.jit(kernel)(*tuple(_d.values())))

</pallas_src>

<mosaic_0001>
#map = affine_map<(d0, d1) -> (0, 0)>
#map1 = affine_map<(d0, d1) -> (0)>
module attributes {stable_mosaic.version = 14 : i64} {
  func.func @gather_kernel(%arg0: i32, %arg1: i32, %arg2: memref<8192x128xf32, #tpu.memory_space<hbm>>, %arg3: memref<32768xi32, #tpu.memory_space<hbm>>, %arg4: memref<32768x128xf32, #tpu.memory_space<hbm>>, %arg5: memref<1024xi32, #tpu.memory_space<vmem>>, %arg6: memref<128x128xf32, #tpu.memory_space<vmem>>, %arg7: memref<128x128xf32, #tpu.memory_space<vmem>>, %arg8: memref<!tpu.dma_semaphore, #tpu.memory_space<semaphore_mem>>, %arg9: memref<!tpu.dma_semaphore, #tpu.memory_space<semaphore_mem>>) attributes {dimension_semantics = [#tpu.dimension_semantics<core_parallel>, #tpu.dimension_semantics<subcore_parallel>], iteration_bounds = array<i64: 2, 16>, scalar_prefetch = 0 : i64, scratch_operands = 5 : i64, tpu.core_type = #tpu.core_type<sc_vector_subcore>, window_params = [{transform_indices = #map}, {transform_indices = #map1}, {transform_indices = #map}]} {
    %mul3A = arith.constant 2 : i32
    %mul3A_0 = arith.muli %arg1, %mul3A : i32
    %add3A = arith.addi %mul3A_0, %arg0 : i32
    %mul3A_1 = arith.constant 1024 : i32
    %mul3A_2 = arith.muli %add3A, %mul3A_1 : i32
    "tpu.region"() ({
      %run_scoped3A = tpu.sem_alloc : memref<!tpu.dma_semaphore, #tpu.memory_space<semaphore_mem>>
      %dma_start3A_97 = tpu.memref_slice %arg3[%mul3A_2] : memref<32768xi32, #tpu.memory_space<hbm>> -> memref<1024xi32, #tpu.memory_space<hbm>>
      %dma_start3A_98 = tpu.memref_slice %arg3[%mul3A_2] : memref<32768xi32, #tpu.memory_space<hbm>> -> memref<1024xi32, #tpu.memory_space<hbm>>
      tpu.enqueue_dma source(%dma_start3A_98 : memref<1024xi32, #tpu.memory_space<hbm>>) target(%arg5 : memref<1024xi32, #tpu.memory_space<vmem>>) target_semaphore(%run_scoped3A : memref<!tpu.dma_semaphore, #tpu.memory_space<semaphore_mem>>)
      %dma_wait3A_99 = tpu.memref_slice %arg3[%mul3A_2] : memref<32768xi32, #tpu.memory_space<hbm>> -> memref<1024xi32, #tpu.memory_space<hbm>>
      %dma_wait3A_100 = tpu.memref_slice %arg3[%mul3A_2] : memref<32768xi32, #tpu.memory_space<hbm>> -> memref<1024xi32, #tpu.memory_space<hbm>>
      tpu.wait_dma2 semaphore(%run_scoped3A : memref<!tpu.dma_semaphore, #tpu.memory_space<semaphore_mem>>) src(%dma_wait3A_100 : memref<1024xi32, #tpu.memory_space<hbm>>) dst(%arg5 : memref<1024xi32, #tpu.memory_space<vmem>>)
      tpu.yield
    }) : () -> ()
    %dma_start3A = arith.constant 0 : i32
    %dma_start3A_3 = tpu.memref_slice %arg5[%dma_start3A] : memref<1024xi32, #tpu.memory_space<vmem>> -> memref<128xi32, #tpu.memory_space<vmem>>
    %dma_start3A_4 = arith.constant 0 : i32
    %dma_start3A_5 = arith.constant 0 : i32
    %dma_start3A_6 = tpu.memref_slice %arg2[%dma_start3A_4, %dma_start3A_5] : memref<8192x128xf32, #tpu.memory_space<hbm>> -> memref<8192x128xf32, #tpu.memory_space<hbm>>
    tpu.enqueue_indirect_dma source(%dma_start3A_6 : memref<8192x128xf32, #tpu.memory_space<hbm>>) target(%arg6 : memref<128x128xf32, #tpu.memory_space<vmem>>) offsets(%dma_start3A_3 : memref<128xi32, #tpu.memory_space<vmem>>) semaphore(%arg8 : memref<!tpu.dma_semaphore, #tpu.memory_space<semaphore_mem>>)
    %dma_start3A_7 = arith.constant 128 : i32
    %dma_start3A_8 = tpu.memref_slice %arg5[%dma_start3A_7] : memref<1024xi32, #tpu.memory_space<vmem>> -> memref<128xi32, #tpu.memory_space<vmem>>
    %dma_start3A_9 = arith.constant 0 : i32
    %dma_start3A_10 = arith.constant 0 : i32
    %dma_start3A_11 = tpu.memref_slice %arg2[%dma_start3A_9, %dma_start3A_10] : memref<8192x128xf32, #tpu.memory_space<hbm>> -> memref<8192x128xf32, #tpu.memory_space<hbm>>
    tpu.enqueue_indirect_dma source(%dma_start3A_11 : memref<8192x128xf32, #tpu.memory_space<hbm>>) target(%arg7 : memref<128x128xf32, #tpu.memory_space<vmem>>) offsets(%dma_start3A_8 : memref<128xi32, #tpu.memory_space<vmem>>) semaphore(%arg9 : memref<!tpu.dma_semaphore, #tpu.memory_space<semaphore_mem>>)
    %dma_wait3A = arith.constant 0 : i32
    %dma_wait3A_12 = tpu.memref_slice %arg5[%dma_wait3A] : memref<1024xi32, #tpu.memory_space<vmem>> -> memref<128xi32, #tpu.memory_space<vmem>>
    %dma_wait3A_13 = arith.constant 0 : i32
    %dma_wait3A_14 = arith.constant 0 : i32
    %dma_wait3A_15 = tpu.memref_slice %arg2[%dma_wait3A_13, %dma_wait3A_14] : memref<8192x128xf32, #tpu.memory_space<hbm>> -> memref<8192x128xf32, #tpu.memory_space<hbm>>
    tpu.wait_indirect_dma semaphore(%arg8 : memref<!tpu.dma_semaphore, #tpu.memory_space<semaphore_mem>>) src(%dma_wait3A_15 : memref<8192x128xf32, #tpu.memory_space<hbm>>) dst(%arg6 : memref<128x128xf32, #tpu.memory_space<vmem>>)
    %add3A_16 = arith.constant 0 : i32
    %add3A_17 = arith.addi %mul3A_2, %add3A_16 : i32
    "tpu.region"() ({
      %run_scoped3A = tpu.sem_alloc : memref<!tpu.dma_semaphore, #tpu.memory_space<semaphore_mem>>
      %dma_start3A_97 = arith.constant 0 : i32
      %dma_start3A_98 = tpu.memref_slice %arg4[%add3A_17, %dma_start3A_97] : memref<32768x128xf32, #tpu.memory_space<hbm>> -> memref<128x128xf32, #tpu.memory_space<hbm>>
      %dma_start3A_99 = arith.constant 0 : i32
      %dma_start3A_100 = tpu.memref_slice %arg4[%add3A_17, %dma_start3A_99] : memref<32768x128xf32, #tpu.memory_space<hbm>> -> memref<128x128xf32, #tpu.memory_space<hbm>>
      tpu.enqueue_dma source(%arg6 : memref<128x128xf32, #tpu.memory_space<vmem>>) target(%dma_start3A_100 : memref<128x128xf32, #tpu.memory_space<hbm>>) target_semaphore(%run_scoped3A : memref<!tpu.dma_semaphore, #tpu.memory_space<semaphore_mem>>)
      %dma_wait3A_101 = arith.constant 0 : i32
      %dma_wait3A_102 = tpu.memref_slice %arg4[%add3A_17, %dma_wait3A_101] : memref<32768x128xf32, #tpu.memory_space<hbm>> -> memref<128x128xf32, #tpu.memory_space<hbm>>
      %dma_wait3A_103 = arith.constant 0 : i32
      %dma_wait3A_104 = tpu.memref_slice %arg4[%add3A_17, %dma_wait3A_103] : memref<32768x128xf32, #tpu.memory_space<hbm>> -> memref<128x128xf32, #tpu.memory_space<hbm>>
      tpu.wait_dma2 semaphore(%run_scoped3A : memref<!tpu.dma_semaphore, #tpu.memory_space<semaphore_mem>>) src(%arg6 : memref<128x128xf32, #tpu.memory_space<vmem>>) dst(%dma_wait3A_104 : memref<128x128xf32, #tpu.memory_space<hbm>>)
      tpu.yield
    }) : () -> ()
    %dma_start3A_18 = arith.constant 256 : i32
    %dma_start3A_19 = tpu.memref_slice %arg5[%dma_start3A_18] : memref<1024xi32, #tpu.memory_space<vmem>> -> memref<128xi32, #tpu.memory_space<vmem>>
    %dma_start3A_20 = arith.constant 0 : i32
    %dma_start3A_21 = arith.constant 0 : i32
    %dma_start3A_22 = tpu.memref_slice %arg2[%dma_start3A_20, %dma_start3A_21] : memref<8192x128xf32, #tpu.memory_space<hbm>> -> memref<8192x128xf32, #tpu.memory_space<hbm>>
    tpu.enqueue_indirect_dma source(%dma_start3A_22 : memref<8192x128xf32, #tpu.memory_space<hbm>>) target(%arg6 : memref<128x128xf32, #tpu.memory_space<vmem>>) offsets(%dma_start3A_19 : memref<128xi32, #tpu.memory_space<vmem>>) semaphore(%arg8 : memref<!tpu.dma_semaphore, #tpu.memory_space<semaphore_mem>>)
    %dma_wait3A_23 = arith.constant 128 : i32
    %dma_wait3A_24 = tpu.memref_slice %arg5[%dma_wait3A_23] : memref<1024xi32, #tpu.memory_space<vmem>> -> memref<128xi32, #tpu.memory_space<vmem>>
    %dma_wait3A_25 = arith.constant 0 : i32
    %dma_wait3A_26 = arith.constant 0 : i32
    %dma_wait3A_27 = tpu.memref_slice %arg2[%dma_wait3A_25, %dma_wait3A_26] : memref<8192x128xf32, #tpu.memory_space<hbm>> -> memref<8192x128xf32, #tpu.memory_space<hbm>>
    tpu.wait_indirect_dma semaphore(%arg9 : memref<!tpu.dma_semaphore, #tpu.memory_space<semaphore_mem>>) src(%dma_wait3A_27 : memref<8192x128xf32, #tpu.memory_space<hbm>>) dst(%arg7 : memref<128x128xf32, #tpu.memory_space<vmem>>)
    %add3A_28 = arith.constant 128 : i32
    %add3A_29 = arith.addi %mul3A_2, %add3A_28 : i32
    "tpu.region"() ({
      %run_scoped3A = tpu.sem_alloc : memref<!tpu.dma_semaphore, #tpu.memory_space<semaphore_mem>>
      %dma_start3A_97 = arith.constant 0 : i32
      %dma_start3A_98 = tpu.memref_slice %arg4[%add3A_29, %dma_start3A_97] : memref<32768x128xf32, #tpu.memory_space<hbm>> -> memref<128x128xf32, #tpu.memory_space<hbm>>
      %dma_start3A_99 = arith.constant 0 : i32
      %dma_start3A_100 = tpu.memref_slice %arg4[%add3A_29, %dma_start3A_99] : memref<32768x128xf32, #tpu.memory_space<hbm>> -> memref<128x128xf32, #tpu.memory_space<hbm>>
      tpu.enqueue_dma source(%arg7 : memref<128x128xf32, #tpu.memory_space<vmem>>) target(%dma_start3A_100 : memref<128x128xf32, #tpu.memory_space<hbm>>) target_semaphore(%run_scoped3A : memref<!tpu.dma_semaphore, #tpu.memory_space<semaphore_mem>>)
      %dma_wait3A_101 = arith.constant 0 : i32
      %dma_wait3A_102 = tpu.memref_slice %arg4[%add3A_29, %dma_wait3A_101] : memref<32768x128xf32, #tpu.memory_space<hbm>> -> memref<128x128xf32, #tpu.memory_space<hbm>>
      %dma_wait3A_103 = arith.constant 0 : i32
      %dma_wait3A_104 = tpu.memref_slice %arg4[%add3A_29, %dma_wait3A_103] : memref<32768x128xf32, #tpu.memory_space<hbm>> -> memref<128x128xf32, #tpu.memory_space<hbm>>
      tpu.wait_dma2 semaphore(%run_scoped3A : memref<!tpu.dma_semaphore, #tpu.memory_space<semaphore_mem>>) src(%arg7 : memref<128x128xf32, #tpu.memory_space<vmem>>) dst(%dma_wait3A_104 : memref<128x128xf32, #tpu.memory_space<hbm>>)
      tpu.yield
    }) : () -> ()
    %dma_start3A_30 = arith.constant 384 : i32
    %dma_start3A_31 = tpu.memref_slice %arg5[%dma_start3A_30] : memref<1024xi32, #tpu.memory_space<vmem>> -> memref<128xi32, #tpu.memory_space<vmem>>
    %dma_start3A_32 = arith.constant 0 : i32
    %dma_start3A_33 = arith.constant 0 : i32
    %dma_start3A_34 = tpu.memref_slice %arg2[%dma_start3A_32, %dma_start3A_33] : memref<8192x128xf32, #tpu.memory_space<hbm>> -> memref<8192x128xf32, #tpu.memory_space<hbm>>
    tpu.enqueue_indirect_dma source(%dma_start3A_34 : memref<8192x128xf32, #tpu.memory_space<hbm>>) target(%arg7 : memref<128x128xf32, #tpu.memory_space<vmem>>) offsets(%dma_start3A_31 : memref<128xi32, #tpu.memory_space<vmem>>) semaphore(%arg9 : memref<!tpu.dma_semaphore, #tpu.memory_space<semaphore_mem>>)
    %dma_wait3A_35 = arith.constant 256 : i32
    %dma_wait3A_36 = tpu.memref_slice %arg5[%dma_wait3A_35] : memref<1024xi32, #tpu.memory_space<vmem>> -> memref<128xi32, #tpu.memory_space<vmem>>
    %dma_wait3A_37 = arith.constant 0 : i32
    %dma_wait3A_38 = arith.constant 0 : i32
    %dma_wait3A_39 = tpu.memref_slice %arg2[%dma_wait3A_37, %dma_wait3A_38] : memref<8192x128xf32, #tpu.memory_space<hbm>> -> memref<8192x128xf32, #tpu.memory_space<hbm>>
    tpu.wait_indirect_dma semaphore(%arg8 : memref<!tpu.dma_semaphore, #tpu.memory_space<semaphore_mem>>) src(%dma_wait3A_39 : memref<8192x128xf32, #tpu.memory_space<hbm>>) dst(%arg6 : memref<128x128xf32, #tpu.memory_space<vmem>>)
    %add3A_40 = arith.constant 256 : i32
    %add3A_41 = arith.addi %mul3A_2, %add3A_40 : i32
    "tpu.region"() ({
      %run_scoped3A = tpu.sem_alloc : memref<!tpu.dma_semaphore, #tpu.memory_space<semaphore_mem>>
      %dma_start3A_97 = arith.constant 0 : i32
      %dma_start3A_98 = tpu.memref_slice %arg4[%add3A_41, %dma_start3A_97] : memref<32768x128xf32, #tpu.memory_space<hbm>> -> memref<128x128xf32, #tpu.memory_space<hbm>>
      %dma_start3A_99 = arith.constant 0 : i32
      %dma_start3A_100 = tpu.memref_slice %arg4[%add3A_41, %dma_start3A_99] : memref<32768x128xf32, #tpu.memory_space<hbm>> -> memref<128x128xf32, #tpu.memory_space<hbm>>
      tpu.enqueue_dma source(%arg6 : memref<128x128xf32, #tpu.memory_space<vmem>>) target(%dma_start3A_100 : memref<128x128xf32, #tpu.memory_space<hbm>>) target_semaphore(%run_scoped3A : memref<!tpu.dma_semaphore, #tpu.memory_space<semaphore_mem>>)
      %dma_wait3A_101 = arith.constant 0 : i32
      %dma_wait3A_102 = tpu.memref_slice %arg4[%add3A_41, %dma_wait3A_101] : memref<32768x128xf32, #tpu.memory_space<hbm>> -> memref<128x128xf32, #tpu.memory_space<hbm>>
      %dma_wait3A_103 = arith.constant 0 : i32
      %dma_wait3A_104 = tpu.memref_slice %arg4[%add3A_41, %dma_wait3A_103] : memref<32768x128xf32, #tpu.memory_space<hbm>> -> memref<128x128xf32, #tpu.memory_space<hbm>>
      tpu.wait_dma2 semaphore(%run_scoped3A : memref<!tpu.dma_semaphore, #tpu.memory_space<semaphore_mem>>) src(%arg6 : memref<128x128xf32, #tpu.memory_space<vmem>>) dst(%dma_wait3A_104 : memref<128x128xf32, #tpu.memory_space<hbm>>)
      tpu.yield
    }) : () -> ()
    %dma_start3A_42 = arith.constant 512 : i32
    %dma_start3A_43 = tpu.memref_slice %arg5[%dma_start3A_42] : memref<1024xi32, #tpu.memory_space<vmem>> -> memref<128xi32, #tpu.memory_space<vmem>>
    %dma_start3A_44 = arith.constant 0 : i32
    %dma_start3A_45 = arith.constant 0 : i32
    %dma_start3A_46 = tpu.memref_slice %arg2[%dma_start3A_44, %dma_start3A_45] : memref<8192x128xf32, #tpu.memory_space<hbm>> -> memref<8192x128xf32, #tpu.memory_space<hbm>>
    tpu.enqueue_indirect_dma source(%dma_start3A_46 : memref<8192x128xf32, #tpu.memory_space<hbm>>) target(%arg6 : memref<128x128xf32, #tpu.memory_space<vmem>>) offsets(%dma_start3A_43 : memref<128xi32, #tpu.memory_space<vmem>>) semaphore(%arg8 : memref<!tpu.dma_semaphore, #tpu.memory_space<semaphore_mem>>)
    %dma_wait3A_47 = arith.constant 384 : i32
    %dma_wait3A_48 = tpu.memref_slice %arg5[%dma_wait3A_47] : memref<1024xi32, #tpu.memory_space<vmem>> -> memref<128xi32, #tpu.memory_space<vmem>>
    %dma_wait3A_49 = arith.constant 0 : i32
    %dma_wait3A_50 = arith.constant 0 : i32
    %dma_wait3A_51 = tpu.memref_slice %arg2[%dma_wait3A_49, %dma_wait3A_50] : memref<8192x128xf32, #tpu.memory_space<hbm>> -> memref<8192x128xf32, #tpu.memory_space<hbm>>
    tpu.wait_indirect_dma semaphore(%arg9 : memref<!tpu.dma_semaphore, #tpu.memory_space<semaphore_mem>>) src(%dma_wait3A_51 : memref<8192x128xf32, #tpu.memory_space<hbm>>) dst(%arg7 : memref<128x128xf32, #tpu.memory_space<vmem>>)
    %add3A_52 = arith.constant 384 : i32
    %add3A_53 = arith.addi %mul3A_2, %add3A_52 : i32
    "tpu.region"() ({
      %run_scoped3A = tpu.sem_alloc : memref<!tpu.dma_semaphore, #tpu.memory_space<semaphore_mem>>
      %dma_start3A_97 = arith.constant 0 : i32
      %dma_start3A_98 = tpu.memref_slice %arg4[%add3A_53, %dma_start3A_97] : memref<32768x128xf32, #tpu.memory_space<hbm>> -> memref<128x128xf32, #tpu.memory_space<hbm>>
      %dma_start3A_99 = arith.constant 0 : i32
      %dma_start3A_100 = tpu.memref_slice %arg4[%add3A_53, %dma_start3A_99] : memref<32768x128xf32, #tpu.memory_space<hbm>> -> memref<128x128xf32, #tpu.memory_space<hbm>>
      tpu.enqueue_dma source(%arg7 : memref<128x128xf32, #tpu.memory_space<vmem>>) target(%dma_start3A_100 : memref<128x128xf32, #tpu.memory_space<hbm>>) target_semaphore(%run_scoped3A : memref<!tpu.dma_semaphore, #tpu.memory_space<semaphore_mem>>)
      %dma_wait3A_101 = arith.constant 0 : i32
      %dma_wait3A_102 = tpu.memref_slice %arg4[%add3A_53, %dma_wait3A_101] : memref<32768x128xf32, #tpu.memory_space<hbm>> -> memref<128x128xf32, #tpu.memory_space<hbm>>
      %dma_wait3A_103 = arith.constant 0 : i32
      %dma_wait3A_104 = tpu.memref_slice %arg4[%add3A_53, %dma_wait3A_103] : memref<32768x128xf32, #tpu.memory_space<hbm>> -> memref<128x128xf32, #tpu.memory_space<hbm>>
      tpu.wait_dma2 semaphore(%run_scoped3A : memref<!tpu.dma_semaphore, #tpu.memory_space<semaphore_mem>>) src(%arg7 : memref<128x128xf32, #tpu.memory_space<vmem>>) dst(%dma_wait3A_104 : memref<128x128xf32, #tpu.memory_space<hbm>>)
      tpu.yield
    }) : () -> ()
    %dma_start3A_54 = arith.constant 640 : i32
    %dma_start3A_55 = tpu.memref_slice %arg5[%dma_start3A_54] : memref<1024xi32, #tpu.memory_space<vmem>> -> memref<128xi32, #tpu.memory_space<vmem>>
    %dma_start3A_56 = arith.constant 0 : i32
    %dma_start3A_57 = arith.constant 0 : i32
    %dma_start3A_58 = tpu.memref_slice %arg2[%dma_start3A_56, %dma_start3A_57] : memref<8192x128xf32, #tpu.memory_space<hbm>> -> memref<8192x128xf32, #tpu.memory_space<hbm>>
    tpu.enqueue_indirect_dma source(%dma_start3A_58 : memref<8192x128xf32, #tpu.memory_space<hbm>>) target(%arg7 : memref<128x128xf32, #tpu.memory_space<vmem>>) offsets(%dma_start3A_55 : memref<128xi32, #tpu.memory_space<vmem>>) semaphore(%arg9 : memref<!tpu.dma_semaphore, #tpu.memory_space<semaphore_mem>>)
    %dma_wait3A_59 = arith.constant 512 : i32
    %dma_wait3A_60 = tpu.memref_slice %arg5[%dma_wait3A_59] : memref<1024xi32, #tpu.memory_space<vmem>> -> memref<128xi32, #tpu.memory_space<vmem>>
    %dma_wait3A_61 = arith.constant 0 : i32
    %dma_wait3A_62 = arith.constant 0 : i32
    %dma_wait3A_63 = tpu.memref_slice %arg2[%dma_wait3A_61, %dma_wait3A_62] : memref<8192x128xf32, #tpu.memory_space<hbm>> -> memref<8192x128xf32, #tpu.memory_space<hbm>>
    tpu.wait_indirect_dma semaphore(%arg8 : memref<!tpu.dma_semaphore, #tpu.memory_space<semaphore_mem>>) src(%dma_wait3A_63 : memref<8192x128xf32, #tpu.memory_space<hbm>>) dst(%arg6 : memref<128x128xf32, #tpu.memory_space<vmem>>)
    %add3A_64 = arith.constant 512 : i32
    %add3A_65 = arith.addi %mul3A_2, %add3A_64 : i32
    "tpu.region"() ({
      %run_scoped3A = tpu.sem_alloc : memref<!tpu.dma_semaphore, #tpu.memory_space<semaphore_mem>>
      %dma_start3A_97 = arith.constant 0 : i32
      %dma_start3A_98 = tpu.memref_slice %arg4[%add3A_65, %dma_start3A_97] : memref<32768x128xf32, #tpu.memory_space<hbm>> -> memref<128x128xf32, #tpu.memory_space<hbm>>
      %dma_start3A_99 = arith.constant 0 : i32
      %dma_start3A_100 = tpu.memref_slice %arg4[%add3A_65, %dma_start3A_99] : memref<32768x128xf32, #tpu.memory_space<hbm>> -> memref<128x128xf32, #tpu.memory_space<hbm>>
      tpu.enqueue_dma source(%arg6 : memref<128x128xf32, #tpu.memory_space<vmem>>) target(%dma_start3A_100 : memref<128x128xf32, #tpu.memory_space<hbm>>) target_semaphore(%run_scoped3A : memref<!tpu.dma_semaphore, #tpu.memory_space<semaphore_mem>>)
      %dma_wait3A_101 = arith.constant 0 : i32
      %dma_wait3A_102 = tpu.memref_slice %arg4[%add3A_65, %dma_wait3A_101] : memref<32768x128xf32, #tpu.memory_space<hbm>> -> memref<128x128xf32, #tpu.memory_space<hbm>>
      %dma_wait3A_103 = arith.constant 0 : i32
      %dma_wait3A_104 = tpu.memref_slice %arg4[%add3A_65, %dma_wait3A_103] : memref<32768x128xf32, #tpu.memory_space<hbm>> -> memref<128x128xf32, #tpu.memory_space<hbm>>
      tpu.wait_dma2 semaphore(%run_scoped3A : memref<!tpu.dma_semaphore, #tpu.memory_space<semaphore_mem>>) src(%arg6 : memref<128x128xf32, #tpu.memory_space<vmem>>) dst(%dma_wait3A_104 : memref<128x128xf32, #tpu.memory_space<hbm>>)
      tpu.yield
    }) : () -> ()
    %dma_start3A_66 = arith.constant 768 : i32
    %dma_start3A_67 = tpu.memref_slice %arg5[%dma_start3A_66] : memref<1024xi32, #tpu.memory_space<vmem>> -> memref<128xi32, #tpu.memory_space<vmem>>
    %dma_start3A_68 = arith.constant 0 : i32
    %dma_start3A_69 = arith.constant 0 : i32
    %dma_start3A_70 = tpu.memref_slice %arg2[%dma_start3A_68, %dma_start3A_69] : memref<8192x128xf32, #tpu.memory_space<hbm>> -> memref<8192x128xf32, #tpu.memory_space<hbm>>
    tpu.enqueue_indirect_dma source(%dma_start3A_70 : memref<8192x128xf32, #tpu.memory_space<hbm>>) target(%arg6 : memref<128x128xf32, #tpu.memory_space<vmem>>) offsets(%dma_start3A_67 : memref<128xi32, #tpu.memory_space<vmem>>) semaphore(%arg8 : memref<!tpu.dma_semaphore, #tpu.memory_space<semaphore_mem>>)
    %dma_wait3A_71 = arith.constant 640 : i32
    %dma_wait3A_72 = tpu.memref_slice %arg5[%dma_wait3A_71] : memref<1024xi32, #tpu.memory_space<vmem>> -> memref<128xi32, #tpu.memory_space<vmem>>
    %dma_wait3A_73 = arith.constant 0 : i32
    %dma_wait3A_74 = arith.constant 0 : i32
    %dma_wait3A_75 = tpu.memref_slice %arg2[%dma_wait3A_73, %dma_wait3A_74] : memref<8192x128xf32, #tpu.memory_space<hbm>> -> memref<8192x128xf32, #tpu.memory_space<hbm>>
    tpu.wait_indirect_dma semaphore(%arg9 : memref<!tpu.dma_semaphore, #tpu.memory_space<semaphore_mem>>) src(%dma_wait3A_75 : memref<8192x128xf32, #tpu.memory_space<hbm>>) dst(%arg7 : memref<128x128xf32, #tpu.memory_space<vmem>>)
    %add3A_76 = arith.constant 640 : i32
    %add3A_77 = arith.addi %mul3A_2, %add3A_76 : i32
    "tpu.region"() ({
      %run_scoped3A = tpu.sem_alloc : memref<!tpu.dma_semaphore, #tpu.memory_space<semaphore_mem>>
      %dma_start3A_97 = arith.constant 0 : i32
      %dma_start3A_98 = tpu.memref_slice %arg4[%add3A_77, %dma_start3A_97] : memref<32768x128xf32, #tpu.memory_space<hbm>> -> memref<128x128xf32, #tpu.memory_space<hbm>>
      %dma_start3A_99 = arith.constant 0 : i32
      %dma_start3A_100 = tpu.memref_slice %arg4[%add3A_77, %dma_start3A_99] : memref<32768x128xf32, #tpu.memory_space<hbm>> -> memref<128x128xf32, #tpu.memory_space<hbm>>
      tpu.enqueue_dma source(%arg7 : memref<128x128xf32, #tpu.memory_space<vmem>>) target(%dma_start3A_100 : memref<128x128xf32, #tpu.memory_space<hbm>>) target_semaphore(%run_scoped3A : memref<!tpu.dma_semaphore, #tpu.memory_space<semaphore_mem>>)
      %dma_wait3A_101 = arith.constant 0 : i32
      %dma_wait3A_102 = tpu.memref_slice %arg4[%add3A_77, %dma_wait3A_101] : memref<32768x128xf32, #tpu.memory_space<hbm>> -> memref<128x128xf32, #tpu.memory_space<hbm>>
      %dma_wait3A_103 = arith.constant 0 : i32
      %dma_wait3A_104 = tpu.memref_slice %arg4[%add3A_77, %dma_wait3A_103] : memref<32768x128xf32, #tpu.memory_space<hbm>> -> memref<128x128xf32, #tpu.memory_space<hbm>>
      tpu.wait_dma2 semaphore(%run_scoped3A : memref<!tpu.dma_semaphore, #tpu.memory_space<semaphore_mem>>) src(%arg7 : memref<128x128xf32, #tpu.memory_space<vmem>>) dst(%dma_wait3A_104 : memref<128x128xf32, #tpu.memory_space<hbm>>)
      tpu.yield
    }) : () -> ()
    %dma_start3A_78 = arith.constant 896 : i32
    %dma_start3A_79 = tpu.memref_slice %arg5[%dma_start3A_78] : memref<1024xi32, #tpu.memory_space<vmem>> -> memref<128xi32, #tpu.memory_space<vmem>>
    %dma_start3A_80 = arith.constant 0 : i32
    %dma_start3A_81 = arith.constant 0 : i32
    %dma_start3A_82 = tpu.memref_slice %arg2[%dma_start3A_80, %dma_start3A_81] : memref<8192x128xf32, #tpu.memory_space<hbm>> -> memref<8192x128xf32, #tpu.memory_space<hbm>>
    tpu.enqueue_indirect_dma source(%dma_start3A_82 : memref<8192x128xf32, #tpu.memory_space<hbm>>) target(%arg7 : memref<128x128xf32, #tpu.memory_space<vmem>>) offsets(%dma_start3A_79 : memref<128xi32, #tpu.memory_space<vmem>>) semaphore(%arg9 : memref<!tpu.dma_semaphore, #tpu.memory_space<semaphore_mem>>)
    %dma_wait3A_83 = arith.constant 768 : i32
    %dma_wait3A_84 = tpu.memref_slice %arg5[%dma_wait3A_83] : memref<1024xi32, #tpu.memory_space<vmem>> -> memref<128xi32, #tpu.memory_space<vmem>>
    %dma_wait3A_85 = arith.constant 0 : i32
    %dma_wait3A_86 = arith.constant 0 : i32
    %dma_wait3A_87 = tpu.memref_slice %arg2[%dma_wait3A_85, %dma_wait3A_86] : memref<8192x128xf32, #tpu.memory_space<hbm>> -> memref<8192x128xf32, #tpu.memory_space<hbm>>
    tpu.wait_indirect_dma semaphore(%arg8 : memref<!tpu.dma_semaphore, #tpu.memory_space<semaphore_mem>>) src(%dma_wait3A_87 : memref<8192x128xf32, #tpu.memory_space<hbm>>) dst(%arg6 : memref<128x128xf32, #tpu.memory_space<vmem>>)
    %add3A_88 = arith.constant 768 : i32
    %add3A_89 = arith.addi %mul3A_2, %add3A_88 : i32
    "tpu.region"() ({
      %run_scoped3A = tpu.sem_alloc : memref<!tpu.dma_semaphore, #tpu.memory_space<semaphore_mem>>
      %dma_start3A_97 = arith.constant 0 : i32
      %dma_start3A_98 = tpu.memref_slice %arg4[%add3A_89, %dma_start3A_97] : memref<32768x128xf32, #tpu.memory_space<hbm>> -> memref<128x128xf32, #tpu.memory_space<hbm>>
      %dma_start3A_99 = arith.constant 0 : i32
      %dma_start3A_100 = tpu.memref_slice %arg4[%add3A_89, %dma_start3A_99] : memref<32768x128xf32, #tpu.memory_space<hbm>> -> memref<128x128xf32, #tpu.memory_space<hbm>>
      tpu.enqueue_dma source(%arg6 : memref<128x128xf32, #tpu.memory_space<vmem>>) target(%dma_start3A_100 : memref<128x128xf32, #tpu.memory_space<hbm>>) target_semaphore(%run_scoped3A : memref<!tpu.dma_semaphore, #tpu.memory_space<semaphore_mem>>)
      %dma_wait3A_101 = arith.constant 0 : i32
      %dma_wait3A_102 = tpu.memref_slice %arg4[%add3A_89, %dma_wait3A_101] : memref<32768x128xf32, #tpu.memory_space<hbm>> -> memref<128x128xf32, #tpu.memory_space<hbm>>
      %dma_wait3A_103 = arith.constant 0 : i32
      %dma_wait3A_104 = tpu.memref_slice %arg4[%add3A_89, %dma_wait3A_103] : memref<32768x128xf32, #tpu.memory_space<hbm>> -> memref<128x128xf32, #tpu.memory_space<hbm>>
      tpu.wait_dma2 semaphore(%run_scoped3A : memref<!tpu.dma_semaphore, #tpu.memory_space<semaphore_mem>>) src(%arg6 : memref<128x128xf32, #tpu.memory_space<vmem>>) dst(%dma_wait3A_104 : memref<128x128xf32, #tpu.memory_space<hbm>>)
      tpu.yield
    }) : () -> ()
    %dma_wait3A_90 = arith.constant 896 : i32
    %dma_wait3A_91 = tpu.memref_slice %arg5[%dma_wait3A_90] : memref<1024xi32, #tpu.memory_space<vmem>> -> memref<128xi32, #tpu.memory_space<vmem>>
    %dma_wait3A_92 = arith.constant 0 : i32
    %dma_wait3A_93 = arith.constant 0 : i32
    %dma_wait3A_94 = tpu.memref_slice %arg2[%dma_wait3A_92, %dma_wait3A_93] : memref<8192x128xf32, #tpu.memory_space<hbm>> -> memref<8192x128xf32, #tpu.memory_space<hbm>>
    tpu.wait_indirect_dma semaphore(%arg9 : memref<!tpu.dma_semaphore, #tpu.memory_space<semaphore_mem>>) src(%dma_wait3A_94 : memref<8192x128xf32, #tpu.memory_space<hbm>>) dst(%arg7 : memref<128x128xf32, #tpu.memory_space<vmem>>)
    %add3A_95 = arith.constant 896 : i32
    %add3A_96 = arith.addi %mul3A_2, %add3A_95 : i32
    "tpu.region"() ({
      %run_scoped3A = tpu.sem_alloc : memref<!tpu.dma_semaphore, #tpu.memory_space<semaphore_mem>>
      %dma_start3A_97 = arith.constant 0 : i32
      %dma_start3A_98 = tpu.memref_slice %arg4[%add3A_96, %dma_start3A_97] : memref<32768x128xf32, #tpu.memory_space<hbm>> -> memref<128x128xf32, #tpu.memory_space<hbm>>
      %dma_start3A_99 = arith.constant 0 : i32
      %dma_start3A_100 = tpu.memref_slice %arg4[%add3A_96, %dma_start3A_99] : memref<32768x128xf32, #tpu.memory_space<hbm>> -> memref<128x128xf32, #tpu.memory_space<hbm>>
      tpu.enqueue_dma source(%arg7 : memref<128x128xf32, #tpu.memory_space<vmem>>) target(%dma_start3A_100 : memref<128x128xf32, #tpu.memory_space<hbm>>) target_semaphore(%run_scoped3A : memref<!tpu.dma_semaphore, #tpu.memory_space<semaphore_mem>>)
      %dma_wait3A_101 = arith.constant 0 : i32
      %dma_wait3A_102 = tpu.memref_slice %arg4[%add3A_96, %dma_wait3A_101] : memref<32768x128xf32, #tpu.memory_space<hbm>> -> memref<128x128xf32, #tpu.memory_space<hbm>>
      %dma_wait3A_103 = arith.constant 0 : i32
      %dma_wait3A_104 = tpu.memref_slice %arg4[%add3A_96, %dma_wait3A_103] : memref<32768x128xf32, #tpu.memory_space<hbm>> -> memref<128x128xf32, #tpu.memory_space<hbm>>
      tpu.wait_dma2 semaphore(%run_scoped3A : memref<!tpu.dma_semaphore, #tpu.memory_space<semaphore_mem>>) src(%arg7 : memref<128x128xf32, #tpu.memory_space<vmem>>) dst(%dma_wait3A_104 : memref<128x128xf32, #tpu.memory_space<hbm>>)
      tpu.yield
    }) : () -> ()
    return
  }
}

module attributes {stable_mosaic.version = 14 : i64} {
  func.func @_topk_body(%arg0: i32, %arg1: memref<1x2048x3xf32, #tpu.memory_space<vmem>>, %arg2: memref<1x16x512xi32, #tpu.memory_space<vmem>>, %arg3: memref<1x16x512xi32, #tpu.memory_space<vmem>>, %arg4: memref<1x16x512xf32, #tpu.memory_space<vmem>>) attributes {dimension_semantics = [#tpu.dimension_semantics<arbitrary>], iteration_bounds = array<i64: 4>, scalar_prefetch = 0 : i64, scratch_operands = 0 : i64, tpu.core_type = #tpu.core_type<tc>, window_params = [{transform_indices = @transform_0, window_bounds = array<i64: 1, 2048, 3>}, {transform_indices = @transform_1, window_bounds = array<i64: 1, 16, 512>}, {transform_indices = @transform_2, window_bounds = array<i64: 1, 16, 512>}, {transform_indices = @transform_3, window_bounds = array<i64: 1, 16, 512>}]} {
    %get3A = arith.constant 0 : index
    %get3A_0 = arith.constant 0 : index
    %get3A_1 = arith.constant 0 : index
    %get3A_2 = vector.load %arg1[%get3A, %get3A_0, %get3A_1] : memref<1x2048x3xf32, #tpu.memory_space<vmem>>, vector<1x2048x3xf32>
    %get3A_3 = vector.shape_cast %get3A_2 : vector<1x2048x3xf32> to vector<2048x3xf32>
    %reshape3A = vector.shape_cast %get3A_3 : vector<2048x3xf32> to vector<512x4x3xf32>
    %slice3A = vector.extract_strided_slice %reshape3A {offsets = [0, 0, 0], sizes = [512, 1, 3], strides = [1, 1, 1]} : vector<512x4x3xf32> to vector<512x1x3xf32>
    %squeeze3A = vector.shape_cast %slice3A : vector<512x1x3xf32> to vector<512x3xf32>
    %transpose3A = tpu.transpose %squeeze3A, [1, 0] : vector<512x3xf32> -> vector<3x512xf32>
    %slice3A_4 = vector.extract_strided_slice %get3A_3 {offsets = [0, 0], sizes = [2048, 1], strides = [1, 1]} : vector<2048x3xf32> to vector<2048x1xf32>
    %slice3A_5 = vector.extract_strided_slice %get3A_3 {offsets = [0, 1], sizes = [2048, 1], strides = [1, 1]} : vector<2048x3xf32> to vector<2048x1xf32>
    %slice3A_6 = vector.extract_strided_slice %get3A_3 {offsets = [0, 2], sizes = [2048, 1], strides = [1, 1]} : vector<2048x3xf32> to vector<2048x1xf32>
    %slice3A_7 = vector.extract_strided_slice %transpose3A {offsets = [0, 0], sizes = [1, 512], strides = [1, 1]} : vector<3x512xf32> to vector<1x512xf32>
    %slice3A_8 = vector.extract_strided_slice %transpose3A {offsets = [1, 0], sizes = [1, 512], strides = [1, 1]} : vector<3x512xf32> to vector<1x512xf32>
    %slice3A_9 = vector.extract_strided_slice %transpose3A {offsets = [2, 0], sizes = [1, 512], strides = [1, 1]} : vector<3x512xf32> to vector<1x512xf32>
    %mul3A = arith.mulf %slice3A_4, %slice3A_4 : vector<2048x1xf32>
    %mul3A_10 = arith.mulf %slice3A_5, %slice3A_5 : vector<2048x1xf32>
    %add3A = arith.addf %mul3A, %mul3A_10 : vector<2048x1xf32>
    %mul3A_11 = arith.mulf %slice3A_6, %slice3A_6 : vector<2048x1xf32>
    %add3A_12 = arith.addf %add3A, %mul3A_11 : vector<2048x1xf32>
    %mul3A_13 = arith.mulf %slice3A_7, %slice3A_7 : vector<1x512xf32>
    %mul3A_14 = arith.mulf %slice3A_8, %slice3A_8 : vector<1x512xf32>
    %add3A_15 = arith.addf %mul3A_13, %mul3A_14 : vector<1x512xf32>
    %mul3A_16 = arith.mulf %slice3A_9, %slice3A_9 : vector<1x512xf32>
    %add3A_17 = arith.addf %add3A_15, %mul3A_16 : vector<1x512xf32>
    %dot_general3A = arith.constant dense<0.000000e+00> : vector<2048x512xf32>
    %dot_general3A_18 = tpu.matmul %get3A_3, %transpose3A, %dot_general3A {dimension_numbers = #tpu.dot_dimension_numbers<[1], [0], [0], [1], [0, 0, 1, 1], [], []>, transpose_lhs_hint = false} : vector<2048x3xf32>, vector<3x512xf32>, vector<2048x512xf32> -> vector<2048x512xf32>
    %add3A_19 = vector.broadcast %add3A_12 : vector<2048x1xf32> to vector<2048x512xf32>
    %add3A_20 = vector.broadcast %add3A_17 : vector<1x512xf32> to vector<2048x512xf32>
    %add3A_21 = arith.addf %add3A_19, %add3A_20 : vector<2048x512xf32>
    %mul3A_22 = arith.constant 2.000000e+00 : f32
    %mul3A_23 = vector.broadcast %mul3A_22 : f32 to vector<2048x512xf32>
    %mul3A_24 = arith.mulf %mul3A_23, %dot_general3A_18 : vector<2048x512xf32>
    %sub3A = arith.subf %add3A_21, %mul3A_24 : vector<2048x512xf32>
    %max3A = arith.constant 0.000000e+00 : f32
    %max3A_25 = vector.broadcast %max3A : f32 to vector<2048x512xf32>
    %max3A_26 = arith.maximumf %sub3A, %max3A_25 : vector<2048x512xf32>
    %div3A = arith.constant 1.000000e-01 : f32
    %div3A_27 = vector.broadcast %div3A : f32 to vector<2048x1xf32>
    %div3A_28 = arith.divf %slice3A_4, %div3A_27 : vector<2048x1xf32>
    %floor3A = math.floor %div3A_28 : vector<2048x1xf32>
    %div3A_29 = arith.constant 1.000000e-01 : f32
    %div3A_30 = vector.broadcast %div3A_29 : f32 to vector<2048x1xf32>
    %div3A_31 = arith.divf %slice3A_5, %div3A_30 : vector<2048x1xf32>
    %floor3A_32 = math.floor %div3A_31 : vector<2048x1xf32>
    %div3A_33 = arith.constant 1.000000e-01 : f32
    %div3A_34 = vector.broadcast %div3A_33 : f32 to vector<2048x1xf32>
    %div3A_35 = arith.divf %slice3A_6, %div3A_34 : vector<2048x1xf32>
    %floor3A_36 = math.floor %div3A_35 : vector<2048x1xf32>
    %div3A_37 = arith.constant 1.000000e-01 : f32
    %div3A_38 = vector.broadcast %div3A_37 : f32 to vector<1x512xf32>
    %div3A_39 = arith.divf %slice3A_7, %div3A_38 : vector<1x512xf32>
    %floor3A_40 = math.floor %div3A_39 : vector<1x512xf32>
    %div3A_41 = arith.constant 1.000000e-01 : f32
    %div3A_42 = vector.broadcast %div3A_41 : f32 to vector<1x512xf32>
    %div3A_43 = arith.divf %slice3A_8, %div3A_42 : vector<1x512xf32>
    %floor3A_44 = math.floor %div3A_43 : vector<1x512xf32>
    %div3A_45 = arith.constant 1.000000e-01 : f32
    %div3A_46 = vector.broadcast %div3A_45 : f32 to vector<1x512xf32>
    %div3A_47 = arith.divf %slice3A_9, %div3A_46 : vector<1x512xf32>
    %floor3A_48 = math.floor %div3A_47 : vector<1x512xf32>
    %sub3A_49 = vector.broadcast %floor3A : vector<2048x1xf32> to vector<2048x512xf32>
    %sub3A_50 = vector.broadcast %floor3A_40 : vector<1x512xf32> to vector<2048x512xf32>
    %sub3A_51 = arith.subf %sub3A_49, %sub3A_50 : vector<2048x512xf32>
    %abs3A = math.absf %sub3A_51 : vector<2048x512xf32>
    %sub3A_52 = vector.broadcast %floor3A_32 : vector<2048x1xf32> to vector<2048x512xf32>
    %sub3A_53 = vector.broadcast %floor3A_44 : vector<1x512xf32> to vector<2048x512xf32>
    %sub3A_54 = arith.subf %sub3A_52, %sub3A_53 : vector<2048x512xf32>
    %abs3A_55 = math.absf %sub3A_54 : vector<2048x512xf32>
    %max3A_56 = arith.maximumf %abs3A, %abs3A_55 : vector<2048x512xf32>
    %sub3A_57 = vector.broadcast %floor3A_36 : vector<2048x1xf32> to vector<2048x512xf32>
    %sub3A_58 = vector.broadcast %floor3A_48 : vector<1x512xf32> to vector<2048x512xf32>
    %sub3A_59 = arith.subf %sub3A_57, %sub3A_58 : vector<2048x512xf32>
    %abs3A_60 = math.absf %sub3A_59 : vector<2048x512xf32>
    %max3A_61 = arith.maximumf %max3A_56, %abs3A_60 : vector<2048x512xf32>
    %le3A = arith.constant 1.000000e+00 : f32
    %le3A_62 = vector.broadcast %le3A : f32 to vector<2048x512xf32>
    %le3A_63 = arith.cmpf ole, %max3A_61, %le3A_62 : vector<2048x512xf32>
    %jit3A = arith.constant 1.000000e+09 : f32
    %broadcast_in_dim3A = vector.broadcast %jit3A : f32 to vector<2048x512xf32>
    %select_n3A = arith.select %le3A_63, %max3A_26, %broadcast_in_dim3A : vector<2048x512xi1>, vector<2048x512xf32>
    %iota3A = tpu.iota {dimensions = array<i32: 0>} : vector<2048x512xi32>
    %convert_element_type3A = arith.sitofp %iota3A : vector<2048x512xi32> to vector<2048x512xf32>
    %reduce_min3A = arith.constant dense<0x7F800000> : vector<512xf32>
    %reduce_min3A_64 = vector.multi_reduction <minimumf>, %select_n3A, %reduce_min3A [0] : vector<2048x512xf32> to vector<512xf32>
    %broadcast_in_dim3A_65 = vector.shape_cast %reduce_min3A_64 : vector<512xf32> to vector<1x512xf32>
    %eq3A = vector.broadcast %broadcast_in_dim3A_65 : vector<1x512xf32> to vector<2048x512xf32>
    %eq3A_66 = arith.cmpf oeq, %select_n3A, %eq3A : vector<2048x512xf32>
    %jit3A_67 = arith.constant 2.048000e+03 : f32
    %broadcast_in_dim3A_68 = vector.broadcast %jit3A_67 : f32 to vector<2048x512xf32>
    %select_n3A_69 = arith.select %eq3A_66, %convert_element_type3A, %broadcast_in_dim3A_68 : vector<2048x512xi1>, vector<2048x512xf32>
    %reduce_min3A_70 = arith.constant dense<0x7F800000> : vector<512xf32>
    %reduce_min3A_71 = vector.multi_reduction <minimumf>, %select_n3A_69, %reduce_min3A_70 [0] : vector<2048x512xf32> to vector<512xf32>
    %broadcast_in_dim3A_72 = vector.shape_cast %reduce_min3A_71 : vector<512xf32> to vector<1x512xf32>
    %convert_element_type3A_73 = arith.fptosi %broadcast_in_dim3A_72 : vector<1x512xf32> to vector<1x512xi32>
    %swap3A = arith.constant 0 : index
    %swap3A_74 = arith.constant 0 : index
    %swap3A_75 = arith.constant 0 : index
    %swap3A_76 = vector.load %arg4[%swap3A, %swap3A_74, %swap3A_75] : memref<1x16x512xf32, #tpu.memory_space<vmem>>, vector<1x1x512xf32>
    %swap3A_77 = vector.shape_cast %swap3A_76 : vector<1x1x512xf32> to vector<1x512xf32>
    %swap3A_78 = vector.shape_cast %broadcast_in_dim3A_65 : vector<1x512xf32> to vector<1x1x512xf32>
    tpu.vector_store %arg4[%swap3A, %swap3A_74, %swap3A_75], %swap3A_78 {strides = array<i32>} : memref<1x16x512xf32, #tpu.memory_space<vmem>>, vector<1x1x512xf32>,
    %swap3A_79 = arith.constant 0 : index
    %swap3A_80 = arith.constant 0 : index
    %swap3A_81 = arith.constant 0 : index
    %swap3A_82 = vector.load %arg3[%swap3A_79, %swap3A_80, %swap3A_81] : memref<1x16x512xi32, #tpu.memory_space<vmem>>, vector<1x1x512xi32>
    %swap3A_83 = vector.shape_cast %swap3A_82 : vector<1x1x512xi32> to vector<1x512xi32>
    %swap3A_84 = vector.shape_cast %convert_element_type3A_73 : vector<1x512xi32> to vector<1x1x512xi32>
    tpu.vector_store %arg3[%swap3A_79, %swap3A_80, %swap3A_81], %swap3A_84 {strides = array<i32>} : memref<1x16x512xi32, #tpu.memory_space<vmem>>, vector<1x1x512xi32>,
    %mul3A_85 = arith.constant 2048 : i32
    %mul3A_86 = arith.muli %arg0, %mul3A_85 : i32
    %add3A_87 = vector.broadcast %mul3A_86 : i32 to vector<1x512xi32>
    %add3A_88 = arith.addi %convert_element_type3A_73, %add3A_87 : vector<1x512xi32>
    %swap3A_89 = arith.constant 0 : index
    %swap3A_90 = arith.constant 0 : index
    %swap3A_91 = arith.constant 0 : index
    %swap3A_92 = vector.load %arg2[%swap3A_89, %swap3A_90, %swap3A_91] : memref<1x16x512xi32, #tpu.memory_space<vmem>>, vector<1x1x512xi32>
    %swap3A_93 = vector.shape_cast %swap3A_92 : vector<1x1x512xi32> to vector<1x512xi32>
    %swap3A_94 = vector.shape_cast %add3A_88 : vector<1x512xi32> to vector<1x1x512xi32>
    tpu.vector_store %arg2[%swap3A_89, %swap3A_90, %swap3A_91], %swap3A_94 {strides = array<i32>} : memref<1x16x512xi32, #tpu.memory_space<vmem>>, vector<1x1x512xi32>,
    %eq3A_95 = vector.broadcast %broadcast_in_dim3A_72 : vector<1x512xf32> to vector<2048x512xf32>
    %eq3A_96 = arith.cmpf oeq, %convert_element_type3A, %eq3A_95 : vector<2048x512xf32>
    %jit3A_97 = arith.constant 0x7F800000 : f32
    %broadcast_in_dim3A_98 = vector.broadcast %jit3A_97 : f32 to vector<2048x512xf32>
    %select_n3A_99 = arith.select %eq3A_96, %broadcast_in_dim3A_98, %select_n3A : vector<2048x512xi1>, vector<2048x512xf32>
    %reduce_min3A_100 = arith.constant dense<0x7F800000> : vector<512xf32>
    %reduce_min3A_101 = vector.multi_reduction <minimumf>, %select_n3A_99, %reduce_min3A_100 [0] : vector<2048x512xf32> to vector<512xf32>
    %broadcast_in_dim3A_102 = vector.shape_cast %reduce_min3A_101 : vector<512xf32> to vector<1x512xf32>
    %eq3A_103 = vector.broadcast %broadcast_in_dim3A_102 : vector<1x512xf32> to vector<2048x512xf32>
    %eq3A_104 = arith.cmpf oeq, %select_n3A_99, %eq3A_103 : vector<2048x512xf32>
    %jit3A_105 = arith.constant 2.048000e+03 : f32
    %broadcast_in_dim3A_106 = vector.broadcast %jit3A_105 : f32 to vector<2048x512xf32>
    %select_n3A_107 = arith.select %eq3A_104, %convert_element_type3A, %broadcast_in_dim3A_106 : vector<2048x512xi1>, vector<2048x512xf32>
    %reduce_min3A_108 = arith.constant dense<0x7F800000> : vector<512xf32>
    %reduce_min3A_109 = vector.multi_reduction <minimumf>, %select_n3A_107, %reduce_min3A_108 [0] : vector<2048x512xf32> to vector<512xf32>
    %broadcast_in_dim3A_110 = vector.shape_cast %reduce_min3A_109 : vector<512xf32> to vector<1x512xf32>
    %convert_element_type3A_111 = arith.fptosi %broadcast_in_dim3A_110 : vector<1x512xf32> to vector<1x512xi32>
    %swap3A_112 = arith.constant 0 : index
    %swap3A_113 = arith.constant 1 : index
    %swap3A_114 = arith.constant 0 : index
    %swap3A_115 = vector.load %arg4[%swap3A_112, %swap3A_113, %swap3A_114] : memref<1x16x512xf32, #tpu.memory_space<vmem>>, vector<1x1x512xf32>
    %swap3A_116 = vector.shape_cast %swap3A_115 : vector<1x1x512xf32> to vector<1x512xf32>
    %swap3A_117 = vector.shape_cast %broadcast_in_dim3A_102 : vector<1x512xf32> to vector<1x1x512xf32>
    tpu.vector_store %arg4[%swap3A_112, %swap3A_113, %swap3A_114], %swap3A_117 {strides = array<i32>} : memref<1x16x512xf32, #tpu.memory_space<vmem>>, vector<1x1x512xf32>,
    %swap3A_118 = arith.constant 0 : index
    %swap3A_119 = arith.constant 1 : index
    %swap3A_120 = arith.constant 0 : index
    %swap3A_121 = vector.load %arg3[%swap3A_118, %swap3A_119, %swap3A_120] : memref<1x16x512xi32, #tpu.memory_space<vmem>>, vector<1x1x512xi32>
    %swap3A_122 = vector.shape_cast %swap3A_121 : vector<1x1x512xi32> to vector<1x512xi32>
    %swap3A_123 = vector.shape_cast %convert_element_type3A_111 : vector<1x512xi32> to vector<1x1x512xi32>
    tpu.vector_store %arg3[%swap3A_118, %swap3A_119, %swap3A_120], %swap3A_123 {strides = array<i32>} : memref<1x16x512xi32, #tpu.memory_space<vmem>>, vector<1x1x512xi32>,
    %mul3A_124 = arith.constant 2048 : i32
    %mul3A_125 = arith.muli %arg0, %mul3A_124 : i32
    %add3A_126 = vector.broadcast %mul3A_125 : i32 to vector<1x512xi32>
    %add3A_127 = arith.addi %convert_element_type3A_111, %add3A_126 : vector<1x512xi32>
    %swap3A_128 = arith.constant 0 : index
    %swap3A_129 = arith.constant 1 : index
    %swap3A_130 = arith.constant 0 : index
    %swap3A_131 = vector.load %arg2[%swap3A_128, %swap3A_129, %swap3A_130] : memref<1x16x512xi32, #tpu.memory_space<vmem>>, vector<1x1x512xi32>
    %swap3A_132 = vector.shape_cast %swap3A_131 : vector<1x1x512xi32> to vector<1x512xi32>
    %swap3A_133 = vector.shape_cast %add3A_127 : vector<1x512xi32> to vector<1x1x512xi32>
    tpu.vector_store %arg2[%swap3A_128, %swap3A_129, %swap3A_130], %swap3A_133 {strides = array<i32>} : memref<1x16x512xi32, #tpu.memory_space<vmem>>, vector<1x1x512xi32>,
    %eq3A_134 = vector.broadcast %broadcast_in_dim3A_110 : vector<1x512xf32> to vector<2048x512xf32>
    %eq3A_135 = arith.cmpf oeq, %convert_element_type3A, %eq3A_134 : vector<2048x512xf32>
    %jit3A_136 = arith.constant 0x7F800000 : f32
    %broadcast_in_dim3A_137 = vector.broadcast %jit3A_136 : f32 to vector<2048x512xf32>
    %select_n3A_138 = arith.select %eq3A_135, %broadcast_in_dim3A_137, %select_n3A_99 : vector<2048x512xi1>, vector<2048x512xf32>
    %reduce_min3A_139 = arith.constant dense<0x7F800000> : vector<512xf32>
    %reduce_min3A_140 = vector.multi_reduction <minimumf>, %select_n3A_138, %reduce_min3A_139 [0] : vector<2048x512xf32> to vector<512xf32>
    %broadcast_in_dim3A_141 = vector.shape_cast %reduce_min3A_140 : vector<512xf32> to vector<1x512xf32>
    %eq3A_142 = vector.broadcast %broadcast_in_dim3A_141 : vector<1x512xf32> to vector<2048x512xf32>
    %eq3A_143 = arith.cmpf oeq, %select_n3A_138, %eq3A_142 : vector<2048x512xf32>
    %jit3A_144 = arith.constant 2.048000e+03 : f32
    %broadcast_in_dim3A_145 = vector.broadcast %jit3A_144 : f32 to vector<2048x512xf32>
    %select_n3A_146 = arith.select %eq3A_143, %convert_element_type3A, %broadcast_in_dim3A_145 : vector<2048x512xi1>, vector<2048x512xf32>
    %reduce_min3A_147 = arith.constant dense<0x7F800000> : vector<512xf32>
    %reduce_min3A_148 = vector.multi_reduction <minimumf>, %select_n3A_146, %reduce_min3A_147 [0] : vector<2048x512xf32> to vector<512xf32>
    %broadcast_in_dim3A_149 = vector.shape_cast %reduce_min3A_148 : vector<512xf32> to vector<1x512xf32>
    %convert_element_type3A_150 = arith.fptosi %broadcast_in_dim3A_149 : vector<1x512xf32> to vector<1x512xi32>
    %swap3A_151 = arith.constant 0 : index
    %swap3A_152 = arith.constant 2 : index
    %swap3A_153 = arith.constant 0 : index
    %swap3A_154 = vector.load %arg4[%swap3A_151, %swap3A_152, %swap3A_153] : memref<1x16x512xf32, #tpu.memory_space<vmem>>, vector<1x1x512xf32>
    %swap3A_155 = vector.shape_cast %swap3A_154 : vector<1x1x512xf32> to vector<1x512xf32>
    %swap3A_156 = vector.shape_cast %broadcast_in_dim3A_141 : vector<1x512xf32> to vector<1x1x512xf32>
    tpu.vector_store %arg4[%swap3A_151, %swap3A_152, %swap3A_153], %swap3A_156 {strides = array<i32>} : memref<1x16x512xf32, #tpu.memory_space<vmem>>, vector<1x1x512xf32>,
    %swap3A_157 = arith.constant 0 : index
    %swap3A_158 = arith.constant 2 : index
    %swap3A_159 = arith.constant 0 : index
    %swap3A_160 = vector.load %arg3[%swap3A_157, %swap3A_158, %swap3A_159] : memref<1x16x512xi32, #tpu.memory_space<vmem>>, vector<1x1x512xi32>
    %swap3A_161 = vector.shape_cast %swap3A_160 : vector<1x1x512xi32> to vector<1x512xi32>
    %swap3A_162 = vector.shape_cast %convert_element_type3A_150 : vector<1x512xi32> to vector<1x1x512xi32>
    tpu.vector_store %arg3[%swap3A_157, %swap3A_158, %swap3A_159], %swap3A_162 {strides = array<i32>} : memref<1x16x512xi32, #tpu.memory_space<vmem>>, vector<1x1x512xi32>,
    %mul3A_163 = arith.constant 2048 : i32
    %mul3A_164 = arith.muli %arg0, %mul3A_163 : i32
    %add3A_165 = vector.broadcast %mul3A_164 : i32 to vector<1x512xi32>
    %add3A_166 = arith.addi %convert_element_type3A_150, %add3A_165 : vector<1x512xi32>
    %swap3A_167 = arith.constant 0 : index
    %swap3A_168 = arith.constant 2 : index
    %swap3A_169 = arith.constant 0 : index
    %swap3A_170 = vector.load %arg2[%swap3A_167, %swap3A_168, %swap3A_169] : memref<1x16x512xi32, #tpu.memory_space<vmem>>, vector<1x1x512xi32>
    %swap3A_171 = vector.shape_cast %swap3A_170 : vector<1x1x512xi32> to vector<1x512xi32>
    %swap3A_172 = vector.shape_cast %add3A_166 : vector<1x512xi32> to vector<1x1x512xi32>
    tpu.vector_store %arg2[%swap3A_167, %swap3A_168, %swap3A_169], %swap3A_172 {strides = array<i32>} : memref<1x16x512xi32, #tpu.memory_space<vmem>>, vector<1x1x512xi32>,
    %eq3A_173 = vector.broadcast %broadcast_in_dim3A_149 : vector<1x512xf32> to vector<2048x512xf32>
    %eq3A_174 = arith.cmpf oeq, %convert_element_type3A, %eq3A_173 : vector<2048x512xf32>
    %jit3A_175 = arith.constant 0x7F800000 : f32
    %broadcast_in_dim3A_176 = vector.broadcast %jit3A_175 : f32 to vector<2048x512xf32>
    %select_n3A_177 = arith.select %eq3A_174, %broadcast_in_dim3A_176, %select_n3A_138 : vector<2048x512xi1>, vector<2048x512xf32>
    %reduce_min3A_178 = arith.constant dense<0x7F800000> : vector<512xf32>
    %reduce_min3A_179 = vector.multi_reduction <minimumf>, %select_n3A_177, %reduce_min3A_178 [0] : vector<2048x512xf32> to vector<512xf32>
    %broadcast_in_dim3A_180 = vector.shape_cast %reduce_min3A_179 : vector<512xf32> to vector<1x512xf32>
    %eq3A_181 = vector.broadcast %broadcast_in_dim3A_180 : vector<1x512xf32> to vector<2048x512xf32>
    %eq3A_182 = arith.cmpf oeq, %select_n3A_177, %eq3A_181 : vector<2048x512xf32>
    %jit3A_183 = arith.constant 2.048000e+03 : f32
    %broadcast_in_dim3A_184 = vector.broadcast %jit3A_183 : f32 to vector<2048x512xf32>
    %select_n3A_185 = arith.select %eq3A_182, %convert_element_type3A, %broadcast_in_dim3A_184 : vector<2048x512xi1>, vector<2048x512xf32>
    %reduce_min3A_186 = arith.constant dense<0x7F800000> : vector<512xf32>
    %reduce_min3A_187 = vector.multi_reduction <minimumf>, %select_n3A_185, %reduce_min3A_186 [0] : vector<2048x512xf32> to vector<512xf32>
    %broadcast_in_dim3A_188 = vector.shape_cast %reduce_min3A_187 : vector<512xf32> to vector<1x512xf32>
    %convert_element_type3A_189 = arith.fptosi %broadcast_in_dim3A_188 : vector<1x512xf32> to vector<1x512xi32>
    %swap3A_190 = arith.constant 0 : index
    %swap3A_191 = arith.constant 3 : index
    %swap3A_192 = arith.constant 0 : index
    %swap3A_193 = vector.load %arg4[%swap3A_190, %swap3A_191, %swap3A_192] : memref<1x16x512xf32, #tpu.memory_space<vmem>>, vector<1x1x512xf32>
    %swap3A_194 = vector.shape_cast %swap3A_193 : vector<1x1x512xf32> to vector<1x512xf32>
    %swap3A_195 = vector.shape_cast %broadcast_in_dim3A_180 : vector<1x512xf32> to vector<1x1x512xf32>
    tpu.vector_store %arg4[%swap3A_190, %swap3A_191, %swap3A_192], %swap3A_195 {strides = array<i32>} : memref<1x16x512xf32, #tpu.memory_space<vmem>>, vector<1x1x512xf32>,
    %swap3A_196 = arith.constant 0 : index
    %swap3A_197 = arith.constant 3 : index
    %swap3A_198 = arith.constant 0 : index
    %swap3A_199 = vector.load %arg3[%swap3A_196, %swap3A_197, %swap3A_198] : memref<1x16x512xi32, #tpu.memory_space<vmem>>, vector<1x1x512xi32>
    %swap3A_200 = vector.shape_cast %swap3A_199 : vector<1x1x512xi32> to vector<1x512xi32>
    %swap3A_201 = vector.shape_cast %convert_element_type3A_189 : vector<1x512xi32> to vector<1x1x512xi32>
    tpu.vector_store %arg3[%swap3A_196, %swap3A_197, %swap3A_198], %swap3A_201 {strides = array<i32>} : memref<1x16x512xi32, #tpu.memory_space<vmem>>, vector<1x1x512xi32>,
    %mul3A_202 = arith.constant 2048 : i32
    %mul3A_203 = arith.muli %arg0, %mul3A_202 : i32
    %add3A_204 = vector.broadcast %mul3A_203 : i32 to vector<1x512xi32>
    %add3A_205 = arith.addi %convert_element_type3A_189, %add3A_204 : vector<1x512xi32>
    %swap3A_206 = arith.constant 0 : index
    %swap3A_207 = arith.constant 3 : index
    %swap3A_208 = arith.constant 0 : index
    %swap3A_209 = vector.load %arg2[%swap3A_206, %swap3A_207, %swap3A_208] : memref<1x16x512xi32, #tpu.memory_space<vmem>>, vector<1x1x512xi32>
    %swap3A_210 = vector.shape_cast %swap3A_209 : vector<1x1x512xi32> to vector<1x512xi32>
    %swap3A_211 = vector.shape_cast %add3A_205 : vector<1x512xi32> to vector<1x1x512xi32>
    tpu.vector_store %arg2[%swap3A_206, %swap3A_207, %swap3A_208], %swap3A_211 {strides = array<i32>} : memref<1x16x512xi32, #tpu.memory_space<vmem>>, vector<1x1x512xi32>,
    %eq3A_212 = vector.broadcast %broadcast_in_dim3A_188 : vector<1x512xf32> to vector<2048x512xf32>
    %eq3A_213 = arith.cmpf oeq, %convert_element_type3A, %eq3A_212 : vector<2048x512xf32>
    %jit3A_214 = arith.constant 0x7F800000 : f32
    %broadcast_in_dim3A_215 = vector.broadcast %jit3A_214 : f32 to vector<2048x512xf32>
    %select_n3A_216 = arith.select %eq3A_213, %broadcast_in_dim3A_215, %select_n3A_177 : vector<2048x512xi1>, vector<2048x512xf32>
    %reduce_min3A_217 = arith.constant dense<0x7F800000> : vector<512xf32>
    %reduce_min3A_218 = vector.multi_reduction <minimumf>, %select_n3A_216, %reduce_min3A_217 [0] : vector<2048x512xf32> to vector<512xf32>
    %broadcast_in_dim3A_219 = vector.shape_cast %reduce_min3A_218 : vector<512xf32> to vector<1x512xf32>
    %eq3A_220 = vector.broadcast %broadcast_in_dim3A_219 : vector<1x512xf32> to vector<2048x512xf32>
    %eq3A_221 = arith.cmpf oeq, %select_n3A_216, %eq3A_220 : vector<2048x512xf32>
    %jit3A_222 = arith.constant 2.048000e+03 : f32
    %broadcast_in_dim3A_223 = vector.broadcast %jit3A_222 : f32 to vector<2048x512xf32>
    %select_n3A_224 = arith.select %eq3A_221, %convert_element_type3A, %broadcast_in_dim3A_223 : vector<2048x512xi1>, vector<2048x512xf32>
    %reduce_min3A_225 = arith.constant dense<0x7F800000> : vector<512xf32>
    %reduce_min3A_226 = vector.multi_reduction <minimumf>, %select_n3A_224, %reduce_min3A_225 [0] : vector<2048x512xf32> to vector<512xf32>
    %broadcast_in_dim3A_227 = vector.shape_cast %reduce_min3A_226 : vector<512xf32> to vector<1x512xf32>
    %convert_element_type3A_228 = arith.fptosi %broadcast_in_dim3A_227 : vector<1x512xf32> to vector<1x512xi32>
    %swap3A_229 = arith.constant 0 : index
    %swap3A_230 = arith.constant 4 : index
    %swap3A_231 = arith.constant 0 : index
    %swap3A_232 = vector.load %arg4[%swap3A_229, %swap3A_230, %swap3A_231] : memref<1x16x512xf32, #tpu.memory_space<vmem>>, vector<1x1x512xf32>
    %swap3A_233 = vector.shape_cast %swap3A_232 : vector<1x1x512xf32> to vector<1x512xf32>
    %swap3A_234 = vector.shape_cast %broadcast_in_dim3A_219 : vector<1x512xf32> to vector<1x1x512xf32>
    tpu.vector_store %arg4[%swap3A_229, %swap3A_230, %swap3A_231], %swap3A_234 {strides = array<i32>} : memref<1x16x512xf32, #tpu.memory_space<vmem>>, vector<1x1x512xf32>,
    %swap3A_235 = arith.constant 0 : index
    %swap3A_236 = arith.constant 4 : index
    %swap3A_237 = arith.constant 0 : index
    %swap3A_238 = vector.load %arg3[%swap3A_235, %swap3A_236, %swap3A_237] : memref<1x16x512xi32, #tpu.memory_space<vmem>>, vector<1x1x512xi32>
    %swap3A_239 = vector.shape_cast %swap3A_238 : vector<1x1x512xi32> to vector<1x512xi32>
    %swap3A_240 = vector.shape_cast %convert_element_type3A_228 : vector<1x512xi32> to vector<1x1x512xi32>
    tpu.vector_store %arg3[%swap3A_235, %swap3A_236, %swap3A_237], %swap3A_240 {strides = array<i32>} : memref<1x16x512xi32, #tpu.memory_space<vmem>>, vector<1x1x512xi32>,
    %mul3A_241 = arith.constant 2048 : i32
    %mul3A_242 = arith.muli %arg0, %mul3A_241 : i32
    %add3A_243 = vector.broadcast %mul3A_242 : i32 to vector<1x512xi32>
    %add3A_244 = arith.addi %convert_element_type3A_228, %add3A_243 : vector<1x512xi32>
    %swap3A_245 = arith.constant 0 : index
    %swap3A_246 = arith.constant 4 : index
    %swap3A_247 = arith.constant 0 : index
    %swap3A_248 = vector.load %arg2[%swap3A_245, %swap3A_246, %swap3A_247] : memref<1x16x512xi32, #tpu.memory_space<vmem>>, vector<1x1x512xi32>
    %swap3A_249 = vector.shape_cast %swap3A_248 : vector<1x1x512xi32> to vector<1x512xi32>
    %swap3A_250 = vector.shape_cast %add3A_244 : vector<1x512xi32> to vector<1x1x512xi32>
    tpu.vector_store %arg2[%swap3A_245, %swap3A_246, %swap3A_247], %swap3A_250 {strides = array<i32>} : memref<1x16x512xi32, #tpu.memory_space<vmem>>, vector<1x1x512xi32>,
    %eq3A_251 = vector.broadcast %broadcast_in_dim3A_227 : vector<1x512xf32> to vector<2048x512xf32>
    %eq3A_252 = arith.cmpf oeq, %convert_element_type3A, %eq3A_251 : vector<2048x512xf32>
    %jit3A_253 = arith.constant 0x7F800000 : f32
    %broadcast_in_dim3A_254 = vector.broadcast %jit3A_253 : f32 to vector<2048x512xf32>
    %select_n3A_255 = arith.select %eq3A_252, %broadcast_in_dim3A_254, %select_n3A_216 : vector<2048x512xi1>, vector<2048x512xf32>
    %reduce_min3A_256 = arith.constant dense<0x7F800000> : vector<512xf32>
    %reduce_min3A_257 = vector.multi_reduction <minimumf>, %select_n3A_255, %reduce_min3A_256 [0] : vector<2048x512xf32> to vector<512xf32>
    %broadcast_in_dim3A_258 = vector.shape_cast %reduce_min3A_257 : vector<512xf32> to vector<1x512xf32>
    %eq3A_259 = vector.broadcast %broadcast_in_dim3A_258 : vector<1x512xf32> to vector<2048x512xf32>
    %eq3A_260 = arith.cmpf oeq, %select_n3A_255, %eq3A_259 : vector<2048x512xf32>
    %jit3A_261 = arith.constant 2.048000e+03 : f32
    %broadcast_in_dim3A_262 = vector.broadcast %jit3A_261 : f32 to vector<2048x512xf32>
    %select_n3A_263 = arith.select %eq3A_260, %convert_element_type3A, %broadcast_in_dim3A_262 : vector<2048x512xi1>, vector<2048x512xf32>
    %reduce_min3A_264 = arith.constant dense<0x7F800000> : vector<512xf32>
    %reduce_min3A_265 = vector.multi_reduction <minimumf>, %select_n3A_263, %reduce_min3A_264 [0] : vector<2048x512xf32> to vector<512xf32>
    %broadcast_in_dim3A_266 = vector.shape_cast %reduce_min3A_265 : vector<512xf32> to vector<1x512xf32>
    %convert_element_type3A_267 = arith.fptosi %broadcast_in_dim3A_266 : vector<1x512xf32> to vector<1x512xi32>
    %swap3A_268 = arith.constant 0 : index
    %swap3A_269 = arith.constant 5 : index
    %swap3A_270 = arith.constant 0 : index
    %swap3A_271 = vector.load %arg4[%swap3A_268, %swap3A_269, %swap3A_270] : memref<1x16x512xf32, #tpu.memory_space<vmem>>, vector<1x1x512xf32>
    %swap3A_272 = vector.shape_cast %swap3A_271 : vector<1x1x512xf32> to vector<1x512xf32>
    %swap3A_273 = vector.shape_cast %broadcast_in_dim3A_258 : vector<1x512xf32> to vector<1x1x512xf32>
    tpu.vector_store %arg4[%swap3A_268, %swap3A_269, %swap3A_270], %swap3A_273 {strides = array<i32>} : memref<1x16x512xf32, #tpu.memory_space<vmem>>, vector<1x1x512xf32>,
    %swap3A_274 = arith.constant 0 : index
    %swap3A_275 = arith.constant 5 : index
    %swap3A_276 = arith.constant 0 : index
    %swap3A_277 = vector.load %arg3[%swap3A_274, %swap3A_275, %swap3A_276] : memref<1x16x512xi32, #tpu.memory_space<vmem>>, vector<1x1x512xi32>
    %swap3A_278 = vector.shape_cast %swap3A_277 : vector<1x1x512xi32> to vector<1x512xi32>
    %swap3A_279 = vector.shape_cast %convert_element_type3A_267 : vector<1x512xi32> to vector<1x1x512xi32>
    tpu.vector_store %arg3[%swap3A_274, %swap3A_275, %swap3A_276], %swap3A_279 {strides = array<i32>} : memref<1x16x512xi32, #tpu.memory_space<vmem>>, vector<1x1x512xi32>,
    %mul3A_280 = arith.constant 2048 : i32
    %mul3A_281 = arith.muli %arg0, %mul3A_280 : i32
    %add3A_282 = vector.broadcast %mul3A_281 : i32 to vector<1x512xi32>
    %add3A_283 = arith.addi %convert_element_type3A_267, %add3A_282 : vector<1x512xi32>
    %swap3A_284 = arith.constant 0 : index
    %swap3A_285 = arith.constant 5 : index
    %swap3A_286 = arith.constant 0 : index
    %swap3A_287 = vector.load %arg2[%swap3A_284, %swap3A_285, %swap3A_286] : memref<1x16x512xi32, #tpu.memory_space<vmem>>, vector<1x1x512xi32>
    %swap3A_288 = vector.shape_cast %swap3A_287 : vector<1x1x512xi32> to vector<1x512xi32>
    %swap3A_289 = vector.shape_cast %add3A_283 : vector<1x512xi32> to vector<1x1x512xi32>
    tpu.vector_store %arg2[%swap3A_284, %swap3A_285, %swap3A_286], %swap3A_289 {strides = array<i32>} : memref<1x16x512xi32, #tpu.memory_space<vmem>>, vector<1x1x512xi32>,
    %eq3A_290 = vector.broadcast %broadcast_in_dim3A_266 : vector<1x512xf32> to vector<2048x512xf32>
    %eq3A_291 = arith.cmpf oeq, %convert_element_type3A, %eq3A_290 : vector<2048x512xf32>
    %jit3A_292 = arith.constant 0x7F800000 : f32
    %broadcast_in_dim3A_293 = vector.broadcast %jit3A_292 : f32 to vector<2048x512xf32>
    %select_n3A_294 = arith.select %eq3A_291, %broadcast_in_dim3A_293, %select_n3A_255 : vector<2048x512xi1>, vector<2048x512xf32>
    %reduce_min3A_295 = arith.constant dense<0x7F800000> : vector<512xf32>
    %reduce_min3A_296 = vector.multi_reduction <minimumf>, %select_n3A_294, %reduce_min3A_295 [0] : vector<2048x512xf32> to vector<512xf32>
    %broadcast_in_dim3A_297 = vector.shape_cast %reduce_min3A_296 : vector<512xf32> to vector<1x512xf32>
    %eq3A_298 = vector.broadcast %broadcast_in_dim3A_297 : vector<1x512xf32> to vector<2048x512xf32>
    %eq3A_299 = arith.cmpf oeq, %select_n3A_294, %eq3A_298 : vector<2048x512xf32>
    %jit3A_300 = arith.constant 2.048000e+03 : f32
    %broadcast_in_dim3A_301 = vector.broadcast %jit3A_300 : f32 to vector<2048x512xf32>
    %select_n3A_302 = arith.select %eq3A_299, %convert_element_type3A, %broadcast_in_dim3A_301 : vector<2048x512xi1>, vector<2048x512xf32>
    %reduce_min3A_303 = arith.constant dense<0x7F800000> : vector<512xf32>
    %reduce_min3A_304 = vector.multi_reduction <minimumf>, %select_n3A_302, %reduce_min3A_303 [0] : vector<2048x512xf32> to vector<512xf32>
    %broadcast_in_dim3A_305 = vector.shape_cast %reduce_min3A_304 : vector<512xf32> to vector<1x512xf32>
    %convert_element_type3A_306 = arith.fptosi %broadcast_in_dim3A_305 : vector<1x512xf32> to vector<1x512xi32>
    %swap3A_307 = arith.constant 0 : index
    %swap3A_308 = arith.constant 6 : index
    %swap3A_309 = arith.constant 0 : index
    %swap3A_310 = vector.load %arg4[%swap3A_307, %swap3A_308, %swap3A_309] : memref<1x16x512xf32, #tpu.memory_space<vmem>>, vector<1x1x512xf32>
    %swap3A_311 = vector.shape_cast %swap3A_310 : vector<1x1x512xf32> to vector<1x512xf32>
    %swap3A_312 = vector.shape_cast %broadcast_in_dim3A_297 : vector<1x512xf32> to vector<1x1x512xf32>
    tpu.vector_store %arg4[%swap3A_307, %swap3A_308, %swap3A_309], %swap3A_312 {strides = array<i32>} : memref<1x16x512xf32, #tpu.memory_space<vmem>>, vector<1x1x512xf32>,
    %swap3A_313 = arith.constant 0 : index
    %swap3A_314 = arith.constant 6 : index
    %swap3A_315 = arith.constant 0 : index
    %swap3A_316 = vector.load %arg3[%swap3A_313, %swap3A_314, %swap3A_315] : memref<1x16x512xi32, #tpu.memory_space<vmem>>, vector<1x1x512xi32>
    %swap3A_317 = vector.shape_cast %swap3A_316 : vector<1x1x512xi32> to vector<1x512xi32>
    %swap3A_318 = vector.shape_cast %convert_element_type3A_306 : vector<1x512xi32> to vector<1x1x512xi32>
    tpu.vector_store %arg3[%swap3A_313, %swap3A_314, %swap3A_315], %swap3A_318 {strides = array<i32>} : memref<1x16x512xi32, #tpu.memory_space<vmem>>, vector<1x1x512xi32>,
    %mul3A_319 = arith.constant 2048 : i32
    %mul3A_320 = arith.muli %arg0, %mul3A_319 : i32
    %add3A_321 = vector.broadcast %mul3A_320 : i32 to vector<1x512xi32>
    %add3A_322 = arith.addi %convert_element_type3A_306, %add3A_321 : vector<1x512xi32>
    %swap3A_323 = arith.constant 0 : index
    %swap3A_324 = arith.constant 6 : index
    %swap3A_325 = arith.constant 0 : index
    %swap3A_326 = vector.load %arg2[%swap3A_323, %swap3A_324, %swap3A_325] : memref<1x16x512xi32, #tpu.memory_space<vmem>>, vector<1x1x512xi32>
    %swap3A_327 = vector.shape_cast %swap3A_326 : vector<1x1x512xi32> to vector<1x512xi32>
    %swap3A_328 = vector.shape_cast %add3A_322 : vector<1x512xi32> to vector<1x1x512xi32>
    tpu.vector_store %arg2[%swap3A_323, %swap3A_324, %swap3A_325], %swap3A_328 {strides = array<i32>} : memref<1x16x512xi32, #tpu.memory_space<vmem>>, vector<1x1x512xi32>,
    %eq3A_329 = vector.broadcast %broadcast_in_dim3A_305 : vector<1x512xf32> to vector<2048x512xf32>
    %eq3A_330 = arith.cmpf oeq, %convert_element_type3A, %eq3A_329 : vector<2048x512xf32>
    %jit3A_331 = arith.constant 0x7F800000 : f32
    %broadcast_in_dim3A_332 = vector.broadcast %jit3A_331 : f32 to vector<2048x512xf32>
    %select_n3A_333 = arith.select %eq3A_330, %broadcast_in_dim3A_332, %select_n3A_294 : vector<2048x512xi1>, vector<2048x512xf32>
    %reduce_min3A_334 = arith.constant dense<0x7F800000> : vector<512xf32>
    %reduce_min3A_335 = vector.multi_reduction <minimumf>, %select_n3A_333, %reduce_min3A_334 [0] : vector<2048x512xf32> to vector<512xf32>
    %broadcast_in_dim3A_336 = vector.shape_cast %reduce_min3A_335 : vector<512xf32> to vector<1x512xf32>
    %eq3A_337 = vector.broadcast %broadcast_in_dim3A_336 : vector<1x512xf32> to vector<2048x512xf32>
    %eq3A_338 = arith.cmpf oeq, %select_n3A_333, %eq3A_337 : vector<2048x512xf32>
    %jit3A_339 = arith.constant 2.048000e+03 : f32
    %broadcast_in_dim3A_340 = vector.broadcast %jit3A_339 : f32 to vector<2048x512xf32>
    %select_n3A_341 = arith.select %eq3A_338, %convert_element_type3A, %broadcast_in_dim3A_340 : vector<2048x512xi1>, vector<2048x512xf32>
    %reduce_min3A_342 = arith.constant dense<0x7F800000> : vector<512xf32>
    %reduce_min3A_343 = vector.multi_reduction <minimumf>, %select_n3A_341, %reduce_min3A_342 [0] : vector<2048x512xf32> to vector<512xf32>
    %broadcast_in_dim3A_344 = vector.shape_cast %reduce_min3A_343 : vector<512xf32> to vector<1x512xf32>
    %convert_element_type3A_345 = arith.fptosi %broadcast_in_dim3A_344 : vector<1x512xf32> to vector<1x512xi32>
    %swap3A_346 = arith.constant 0 : index
    %swap3A_347 = arith.constant 7 : index
    %swap3A_348 = arith.constant 0 : index
    %swap3A_349 = vector.load %arg4[%swap3A_346, %swap3A_347, %swap3A_348] : memref<1x16x512xf32, #tpu.memory_space<vmem>>, vector<1x1x512xf32>
    %swap3A_350 = vector.shape_cast %swap3A_349 : vector<1x1x512xf32> to vector<1x512xf32>
    %swap3A_351 = vector.shape_cast %broadcast_in_dim3A_336 : vector<1x512xf32> to vector<1x1x512xf32>
    tpu.vector_store %arg4[%swap3A_346, %swap3A_347, %swap3A_348], %swap3A_351 {strides = array<i32>} : memref<1x16x512xf32, #tpu.memory_space<vmem>>, vector<1x1x512xf32>,
    %swap3A_352 = arith.constant 0 : index
    %swap3A_353 = arith.constant 7 : index
    %swap3A_354 = arith.constant 0 : index
    %swap3A_355 = vector.load %arg3[%swap3A_352, %swap3A_353, %swap3A_354] : memref<1x16x512xi32, #tpu.memory_space<vmem>>, vector<1x1x512xi32>
    %swap3A_356 = vector.shape_cast %swap3A_355 : vector<1x1x512xi32> to vector<1x512xi32>
    %swap3A_357 = vector.shape_cast %convert_element_type3A_345 : vector<1x512xi32> to vector<1x1x512xi32>
    tpu.vector_store %arg3[%swap3A_352, %swap3A_353, %swap3A_354], %swap3A_357 {strides = array<i32>} : memref<1x16x512xi32, #tpu.memory_space<vmem>>, vector<1x1x512xi32>,
    %mul3A_358 = arith.constant 2048 : i32
    %mul3A_359 = arith.muli %arg0, %mul3A_358 : i32
    %add3A_360 = vector.broadcast %mul3A_359 : i32 to vector<1x512xi32>
    %add3A_361 = arith.addi %convert_element_type3A_345, %add3A_360 : vector<1x512xi32>
    %swap3A_362 = arith.constant 0 : index
    %swap3A_363 = arith.constant 7 : index
    %swap3A_364 = arith.constant 0 : index
    %swap3A_365 = vector.load %arg2[%swap3A_362, %swap3A_363, %swap3A_364] : memref<1x16x512xi32, #tpu.memory_space<vmem>>, vector<1x1x512xi32>
    %swap3A_366 = vector.shape_cast %swap3A_365 : vector<1x1x512xi32> to vector<1x512xi32>
    %swap3A_367 = vector.shape_cast %add3A_361 : vector<1x512xi32> to vector<1x1x512xi32>
    tpu.vector_store %arg2[%swap3A_362, %swap3A_363, %swap3A_364], %swap3A_367 {strides = array<i32>} : memref<1x16x512xi32, #tpu.memory_space<vmem>>, vector<1x1x512xi32>,
    %eq3A_368 = vector.broadcast %broadcast_in_dim3A_344 : vector<1x512xf32> to vector<2048x512xf32>
    %eq3A_369 = arith.cmpf oeq, %convert_element_type3A, %eq3A_368 : vector<2048x512xf32>
    %jit3A_370 = arith.constant 0x7F800000 : f32
    %broadcast_in_dim3A_371 = vector.broadcast %jit3A_370 : f32 to vector<2048x512xf32>
    %select_n3A_372 = arith.select %eq3A_369, %broadcast_in_dim3A_371, %select_n3A_333 : vector<2048x512xi1>, vector<2048x512xf32>
    %reduce_min3A_373 = arith.constant dense<0x7F800000> : vector<512xf32>
    %reduce_min3A_374 = vector.multi_reduction <minimumf>, %select_n3A_372, %reduce_min3A_373 [0] : vector<2048x512xf32> to vector<512xf32>
    %broadcast_in_dim3A_375 = vector.shape_cast %reduce_min3A_374 : vector<512xf32> to vector<1x512xf32>
    %eq3A_376 = vector.broadcast %broadcast_in_dim3A_375 : vector<1x512xf32> to vector<2048x512xf32>
    %eq3A_377 = arith.cmpf oeq, %select_n3A_372, %eq3A_376 : vector<2048x512xf32>
    %jit3A_378 = arith.constant 2.048000e+03 : f32
    %broadcast_in_dim3A_379 = vector.broadcast %jit3A_378 : f32 to vector<2048x512xf32>
    %select_n3A_380 = arith.select %eq3A_377, %convert_element_type3A, %broadcast_in_dim3A_379 : vector<2048x512xi1>, vector<2048x512xf32>
    %reduce_min3A_381 = arith.constant dense<0x7F800000> : vector<512xf32>
    %reduce_min3A_382 = vector.multi_reduction <minimumf>, %select_n3A_380, %reduce_min3A_381 [0] : vector<2048x512xf32> to vector<512xf32>
    %broadcast_in_dim3A_383 = vector.shape_cast %reduce_min3A_382 : vector<512xf32> to vector<1x512xf32>
    %convert_element_type3A_384 = arith.fptosi %broadcast_in_dim3A_383 : vector<1x512xf32> to vector<1x512xi32>
    %swap3A_385 = arith.constant 0 : index
    %swap3A_386 = arith.constant 8 : index
    %swap3A_387 = arith.constant 0 : index
    %swap3A_388 = vector.load %arg4[%swap3A_385, %swap3A_386, %swap3A_387] : memref<1x16x512xf32, #tpu.memory_space<vmem>>, vector<1x1x512xf32>
    %swap3A_389 = vector.shape_cast %swap3A_388 : vector<1x1x512xf32> to vector<1x512xf32>
    %swap3A_390 = vector.shape_cast %broadcast_in_dim3A_375 : vector<1x512xf32> to vector<1x1x512xf32>
    tpu.vector_store %arg4[%swap3A_385, %swap3A_386, %swap3A_387], %swap3A_390 {strides = array<i32>} : memref<1x16x512xf32, #tpu.memory_space<vmem>>, vector<1x1x512xf32>,
    %swap3A_391 = arith.constant 0 : index
    %swap3A_392 = arith.constant 8 : index
    %swap3A_393 = arith.constant 0 : index
    %swap3A_394 = vector.load %arg3[%swap3A_391, %swap3A_392, %swap3A_393] : memref<1x16x512xi32, #tpu.memory_space<vmem>>, vector<1x1x512xi32>
    %swap3A_395 = vector.shape_cast %swap3A_394 : vector<1x1x512xi32> to vector<1x512xi32>
    %swap3A_396 = vector.shape_cast %convert_element_type3A_384 : vector<1x512xi32> to vector<1x1x512xi32>
    tpu.vector_store %arg3[%swap3A_391, %swap3A_392, %swap3A_393], %swap3A_396 {strides = array<i32>} : memref<1x16x512xi32, #tpu.memory_space<vmem>>, vector<1x1x512xi32>,
    %mul3A_397 = arith.constant 2048 : i32
    %mul3A_398 = arith.muli %arg0, %mul3A_397 : i32
    %add3A_399 = vector.broadcast %mul3A_398 : i32 to vector<1x512xi32>
    %add3A_400 = arith.addi %convert_element_type3A_384, %add3A_399 : vector<1x512xi32>
    %swap3A_401 = arith.constant 0 : index
    %swap3A_402 = arith.constant 8 : index
    %swap3A_403 = arith.constant 0 : index
    %swap3A_404 = vector.load %arg2[%swap3A_401, %swap3A_402, %swap3A_403] : memref<1x16x512xi32, #tpu.memory_space<vmem>>, vector<1x1x512xi32>
    %swap3A_405 = vector.shape_cast %swap3A_404 : vector<1x1x512xi32> to vector<1x512xi32>
    %swap3A_406 = vector.shape_cast %add3A_400 : vector<1x512xi32> to vector<1x1x512xi32>
    tpu.vector_store %arg2[%swap3A_401, %swap3A_402, %swap3A_403], %swap3A_406 {strides = array<i32>} : memref<1x16x512xi32, #tpu.memory_space<vmem>>, vector<1x1x512xi32>,
    %eq3A_407 = vector.broadcast %broadcast_in_dim3A_383 : vector<1x512xf32> to vector<2048x512xf32>
    %eq3A_408 = arith.cmpf oeq, %convert_element_type3A, %eq3A_407 : vector<2048x512xf32>
    %jit3A_409 = arith.constant 0x7F800000 : f32
    %broadcast_in_dim3A_410 = vector.broadcast %jit3A_409 : f32 to vector<2048x512xf32>
    %select_n3A_411 = arith.select %eq3A_408, %broadcast_in_dim3A_410, %select_n3A_372 : vector<2048x512xi1>, vector<2048x512xf32>
    %reduce_min3A_412 = arith.constant dense<0x7F800000> : vector<512xf32>
    %reduce_min3A_413 = vector.multi_reduction <minimumf>, %select_n3A_411, %reduce_min3A_412 [0] : vector<2048x512xf32> to vector<512xf32>
    %broadcast_in_dim3A_414 = vector.shape_cast %reduce_min3A_413 : vector<512xf32> to vector<1x512xf32>
    %eq3A_415 = vector.broadcast %broadcast_in_dim3A_414 : vector<1x512xf32> to vector<2048x512xf32>
    %eq3A_416 = arith.cmpf oeq, %select_n3A_411, %eq3A_415 : vector<2048x512xf32>
    %jit3A_417 = arith.constant 2.048000e+03 : f32
    %broadcast_in_dim3A_418 = vector.broadcast %jit3A_417 : f32 to vector<2048x512xf32>
    %select_n3A_419 = arith.select %eq3A_416, %convert_element_type3A, %broadcast_in_dim3A_418 : vector<2048x512xi1>, vector<2048x512xf32>
    %reduce_min3A_420 = arith.constant dense<0x7F800000> : vector<512xf32>
    %reduce_min3A_421 = vector.multi_reduction <minimumf>, %select_n3A_419, %reduce_min3A_420 [0] : vector<2048x512xf32> to vector<512xf32>
    %broadcast_in_dim3A_422 = vector.shape_cast %reduce_min3A_421 : vector<512xf32> to vector<1x512xf32>
    %convert_element_type3A_423 = arith.fptosi %broadcast_in_dim3A_422 : vector<1x512xf32> to vector<1x512xi32>
    %swap3A_424 = arith.constant 0 : index
    %swap3A_425 = arith.constant 9 : index
    %swap3A_426 = arith.constant 0 : index
    %swap3A_427 = vector.load %arg4[%swap3A_424, %swap3A_425, %swap3A_426] : memref<1x16x512xf32, #tpu.memory_space<vmem>>, vector<1x1x512xf32>
    %swap3A_428 = vector.shape_cast %swap3A_427 : vector<1x1x512xf32> to vector<1x512xf32>
    %swap3A_429 = vector.shape_cast %broadcast_in_dim3A_414 : vector<1x512xf32> to vector<1x1x512xf32>
    tpu.vector_store %arg4[%swap3A_424, %swap3A_425, %swap3A_426], %swap3A_429 {strides = array<i32>} : memref<1x16x512xf32, #tpu.memory_space<vmem>>, vector<1x1x512xf32>,
    %swap3A_430 = arith.constant 0 : index
    %swap3A_431 = arith.constant 9 : index
    %swap3A_432 = arith.constant 0 : index
    %swap3A_433 = vector.load %arg3[%swap3A_430, %swap3A_431, %swap3A_432] : memref<1x16x512xi32, #tpu.memory_space<vmem>>, vector<1x1x512xi32>
    %swap3A_434 = vector.shape_cast %swap3A_433 : vector<1x1x512xi32> to vector<1x512xi32>
    %swap3A_435 = vector.shape_cast %convert_element_type3A_423 : vector<1x512xi32> to vector<1x1x512xi32>
    tpu.vector_store %arg3[%swap3A_430, %swap3A_431, %swap3A_432], %swap3A_435 {strides = array<i32>} : memref<1x16x512xi32, #tpu.memory_space<vmem>>, vector<1x1x512xi32>,
    %mul3A_436 = arith.constant 2048 : i32
    %mul3A_437 = arith.muli %arg0, %mul3A_436 : i32
    %add3A_438 = vector.broadcast %mul3A_437 : i32 to vector<1x512xi32>
    %add3A_439 = arith.addi %convert_element_type3A_423, %add3A_438 : vector<1x512xi32>
    %swap3A_440 = arith.constant 0 : index
    %swap3A_441 = arith.constant 9 : index
    %swap3A_442 = arith.constant 0 : index
    %swap3A_443 = vector.load %arg2[%swap3A_440, %swap3A_441, %swap3A_442] : memref<1x16x512xi32, #tpu.memory_space<vmem>>, vector<1x1x512xi32>
    %swap3A_444 = vector.shape_cast %swap3A_443 : vector<1x1x512xi32> to vector<1x512xi32>
    %swap3A_445 = vector.shape_cast %add3A_439 : vector<1x512xi32> to vector<1x1x512xi32>
    tpu.vector_store %arg2[%swap3A_440, %swap3A_441, %swap3A_442], %swap3A_445 {strides = array<i32>} : memref<1x16x512xi32, #tpu.memory_space<vmem>>, vector<1x1x512xi32>,
    %eq3A_446 = vector.broadcast %broadcast_in_dim3A_422 : vector<1x512xf32> to vector<2048x512xf32>
    %eq3A_447 = arith.cmpf oeq, %convert_element_type3A, %eq3A_446 : vector<2048x512xf32>
    %jit3A_448 = arith.constant 0x7F800000 : f32
    %broadcast_in_dim3A_449 = vector.broadcast %jit3A_448 : f32 to vector<2048x512xf32>
    %select_n3A_450 = arith.select %eq3A_447, %broadcast_in_dim3A_449, %select_n3A_411 : vector<2048x512xi1>, vector<2048x512xf32>
    %reduce_min3A_451 = arith.constant dense<0x7F800000> : vector<512xf32>
    %reduce_min3A_452 = vector.multi_reduction <minimumf>, %select_n3A_450, %reduce_min3A_451 [0] : vector<2048x512xf32> to vector<512xf32>
    %broadcast_in_dim3A_453 = vector.shape_cast %reduce_min3A_452 : vector<512xf32> to vector<1x512xf32>
    %eq3A_454 = vector.broadcast %broadcast_in_dim3A_453 : vector<1x512xf32> to vector<2048x512xf32>
    %eq3A_455 = arith.cmpf oeq, %select_n3A_450, %eq3A_454 : vector<2048x512xf32>
    %jit3A_456 = arith.constant 2.048000e+03 : f32
    %broadcast_in_dim3A_457 = vector.broadcast %jit3A_456 : f32 to vector<2048x512xf32>
    %select_n3A_458 = arith.select %eq3A_455, %convert_element_type3A, %broadcast_in_dim3A_457 : vector<2048x512xi1>, vector<2048x512xf32>
    %reduce_min3A_459 = arith.constant dense<0x7F800000> : vector<512xf32>
    %reduce_min3A_460 = vector.multi_reduction <minimumf>, %select_n3A_458, %reduce_min3A_459 [0] : vector<2048x512xf32> to vector<512xf32>
    %broadcast_in_dim3A_461 = vector.shape_cast %reduce_min3A_460 : vector<512xf32> to vector<1x512xf32>
    %convert_element_type3A_462 = arith.fptosi %broadcast_in_dim3A_461 : vector<1x512xf32> to vector<1x512xi32>
    %swap3A_463 = arith.constant 0 : index
    %swap3A_464 = arith.constant 10 : index
    %swap3A_465 = arith.constant 0 : index
    %swap3A_466 = vector.load %arg4[%swap3A_463, %swap3A_464, %swap3A_465] : memref<1x16x512xf32, #tpu.memory_space<vmem>>, vector<1x1x512xf32>
    %swap3A_467 = vector.shape_cast %swap3A_466 : vector<1x1x512xf32> to vector<1x512xf32>
    %swap3A_468 = vector.shape_cast %broadcast_in_dim3A_453 : vector<1x512xf32> to vector<1x1x512xf32>
    tpu.vector_store %arg4[%swap3A_463, %swap3A_464, %swap3A_465], %swap3A_468 {strides = array<i32>} : memref<1x16x512xf32, #tpu.memory_space<vmem>>, vector<1x1x512xf32>,
    %swap3A_469 = arith.constant 0 : index
    %swap3A_470 = arith.constant 10 : index
    %swap3A_471 = arith.constant 0 : index
    %swap3A_472 = vector.load %arg3[%swap3A_469, %swap3A_470, %swap3A_471] : memref<1x16x512xi32, #tpu.memory_space<vmem>>, vector<1x1x512xi32>
    %swap3A_473 = vector.shape_cast %swap3A_472 : vector<1x1x512xi32> to vector<1x512xi32>
    %swap3A_474 = vector.shape_cast %convert_element_type3A_462 : vector<1x512xi32> to vector<1x1x512xi32>
    tpu.vector_store %arg3[%swap3A_469, %swap3A_470, %swap3A_471], %swap3A_474 {strides = array<i32>} : memref<1x16x512xi32, #tpu.memory_space<vmem>>, vector<1x1x512xi32>,
    %mul3A_475 = arith.constant 2048 : i32
    %mul3A_476 = arith.muli %arg0, %mul3A_475 : i32
    %add3A_477 = vector.broadcast %mul3A_476 : i32 to vector<1x512xi32>
    %add3A_478 = arith.addi %convert_element_type3A_462, %add3A_477 : vector<1x512xi32>
    %swap3A_479 = arith.constant 0 : index
    %swap3A_480 = arith.constant 10 : index
    %swap3A_481 = arith.constant 0 : index
    %swap3A_482 = vector.load %arg2[%swap3A_479, %swap3A_480, %swap3A_481] : memref<1x16x512xi32, #tpu.memory_space<vmem>>, vector<1x1x512xi32>
    %swap3A_483 = vector.shape_cast %swap3A_482 : vector<1x1x512xi32> to vector<1x512xi32>
    %swap3A_484 = vector.shape_cast %add3A_478 : vector<1x512xi32> to vector<1x1x512xi32>
    tpu.vector_store %arg2[%swap3A_479, %swap3A_480, %swap3A_481], %swap3A_484 {strides = array<i32>} : memref<1x16x512xi32, #tpu.memory_space<vmem>>, vector<1x1x512xi32>,
    %eq3A_485 = vector.broadcast %broadcast_in_dim3A_461 : vector<1x512xf32> to vector<2048x512xf32>
    %eq3A_486 = arith.cmpf oeq, %convert_element_type3A, %eq3A_485 : vector<2048x512xf32>
    %jit3A_487 = arith.constant 0x7F800000 : f32
    %broadcast_in_dim3A_488 = vector.broadcast %jit3A_487 : f32 to vector<2048x512xf32>
    %select_n3A_489 = arith.select %eq3A_486, %broadcast_in_dim3A_488, %select_n3A_450 : vector<2048x512xi1>, vector<2048x512xf32>
    %reduce_min3A_490 = arith.constant dense<0x7F800000> : vector<512xf32>
    %reduce_min3A_491 = vector.multi_reduction <minimumf>, %select_n3A_489, %reduce_min3A_490 [0] : vector<2048x512xf32> to vector<512xf32>
    %broadcast_in_dim3A_492 = vector.shape_cast %reduce_min3A_491 : vector<512xf32> to vector<1x512xf32>
    %eq3A_493 = vector.broadcast %broadcast_in_dim3A_492 : vector<1x512xf32> to vector<2048x512xf32>
    %eq3A_494 = arith.cmpf oeq, %select_n3A_489, %eq3A_493 : vector<2048x512xf32>
    %jit3A_495 = arith.constant 2.048000e+03 : f32
    %broadcast_in_dim3A_496 = vector.broadcast %jit3A_495 : f32 to vector<2048x512xf32>
    %select_n3A_497 = arith.select %eq3A_494, %convert_element_type3A, %broadcast_in_dim3A_496 : vector<2048x512xi1>, vector<2048x512xf32>
    %reduce_min3A_498 = arith.constant dense<0x7F800000> : vector<512xf32>
    %reduce_min3A_499 = vector.multi_reduction <minimumf>, %select_n3A_497, %reduce_min3A_498 [0] : vector<2048x512xf32> to vector<512xf32>
    %broadcast_in_dim3A_500 = vector.shape_cast %reduce_min3A_499 : vector<512xf32> to vector<1x512xf32>
    %convert_element_type3A_501 = arith.fptosi %broadcast_in_dim3A_500 : vector<1x512xf32> to vector<1x512xi32>
    %swap3A_502 = arith.constant 0 : index
    %swap3A_503 = arith.constant 11 : index
    %swap3A_504 = arith.constant 0 : index
    %swap3A_505 = vector.load %arg4[%swap3A_502, %swap3A_503, %swap3A_504] : memref<1x16x512xf32, #tpu.memory_space<vmem>>, vector<1x1x512xf32>
    %swap3A_506 = vector.shape_cast %swap3A_505 : vector<1x1x512xf32> to vector<1x512xf32>
    %swap3A_507 = vector.shape_cast %broadcast_in_dim3A_492 : vector<1x512xf32> to vector<1x1x512xf32>
    tpu.vector_store %arg4[%swap3A_502, %swap3A_503, %swap3A_504], %swap3A_507 {strides = array<i32>} : memref<1x16x512xf32, #tpu.memory_space<vmem>>, vector<1x1x512xf32>,
    %swap3A_508 = arith.constant 0 : index
    %swap3A_509 = arith.constant 11 : index
    %swap3A_510 = arith.constant 0 : index
    %swap3A_511 = vector.load %arg3[%swap3A_508, %swap3A_509, %swap3A_510] : memref<1x16x512xi32, #tpu.memory_space<vmem>>, vector<1x1x512xi32>
    %swap3A_512 = vector.shape_cast %swap3A_511 : vector<1x1x512xi32> to vector<1x512xi32>
    %swap3A_513 = vector.shape_cast %convert_element_type3A_501 : vector<1x512xi32> to vector<1x1x512xi32>
    tpu.vector_store %arg3[%swap3A_508, %swap3A_509, %swap3A_510], %swap3A_513 {strides = array<i32>} : memref<1x16x512xi32, #tpu.memory_space<vmem>>, vector<1x1x512xi32>,
    %mul3A_514 = arith.constant 2048 : i32
    %mul3A_515 = arith.muli %arg0, %mul3A_514 : i32
    %add3A_516 = vector.broadcast %mul3A_515 : i32 to vector<1x512xi32>
    %add3A_517 = arith.addi %convert_element_type3A_501, %add3A_516 : vector<1x512xi32>
    %swap3A_518 = arith.constant 0 : index
    %swap3A_519 = arith.constant 11 : index
    %swap3A_520 = arith.constant 0 : index
    %swap3A_521 = vector.load %arg2[%swap3A_518, %swap3A_519, %swap3A_520] : memref<1x16x512xi32, #tpu.memory_space<vmem>>, vector<1x1x512xi32>
    %swap3A_522 = vector.shape_cast %swap3A_521 : vector<1x1x512xi32> to vector<1x512xi32>
    %swap3A_523 = vector.shape_cast %add3A_517 : vector<1x512xi32> to vector<1x1x512xi32>
    tpu.vector_store %arg2[%swap3A_518, %swap3A_519, %swap3A_520], %swap3A_523 {strides = array<i32>} : memref<1x16x512xi32, #tpu.memory_space<vmem>>, vector<1x1x512xi32>,
    %eq3A_524 = vector.broadcast %broadcast_in_dim3A_500 : vector<1x512xf32> to vector<2048x512xf32>
    %eq3A_525 = arith.cmpf oeq, %convert_element_type3A, %eq3A_524 : vector<2048x512xf32>
    %jit3A_526 = arith.constant 0x7F800000 : f32
    %broadcast_in_dim3A_527 = vector.broadcast %jit3A_526 : f32 to vector<2048x512xf32>
    %select_n3A_528 = arith.select %eq3A_525, %broadcast_in_dim3A_527, %select_n3A_489 : vector<2048x512xi1>, vector<2048x512xf32>
    %reduce_min3A_529 = arith.constant dense<0x7F800000> : vector<512xf32>
    %reduce_min3A_530 = vector.multi_reduction <minimumf>, %select_n3A_528, %reduce_min3A_529 [0] : vector<2048x512xf32> to vector<512xf32>
    %broadcast_in_dim3A_531 = vector.shape_cast %reduce_min3A_530 : vector<512xf32> to vector<1x512xf32>
    %eq3A_532 = vector.broadcast %broadcast_in_dim3A_531 : vector<1x512xf32> to vector<2048x512xf32>
    %eq3A_533 = arith.cmpf oeq, %select_n3A_528, %eq3A_532 : vector<2048x512xf32>
    %jit3A_534 = arith.constant 2.048000e+03 : f32
    %broadcast_in_dim3A_535 = vector.broadcast %jit3A_534 : f32 to vector<2048x512xf32>
    %select_n3A_536 = arith.select %eq3A_533, %convert_element_type3A, %broadcast_in_dim3A_535 : vector<2048x512xi1>, vector<2048x512xf32>
    %reduce_min3A_537 = arith.constant dense<0x7F800000> : vector<512xf32>
    %reduce_min3A_538 = vector.multi_reduction <minimumf>, %select_n3A_536, %reduce_min3A_537 [0] : vector<2048x512xf32> to vector<512xf32>
    %broadcast_in_dim3A_539 = vector.shape_cast %reduce_min3A_538 : vector<512xf32> to vector<1x512xf32>
    %convert_element_type3A_540 = arith.fptosi %broadcast_in_dim3A_539 : vector<1x512xf32> to vector<1x512xi32>
    %swap3A_541 = arith.constant 0 : index
    %swap3A_542 = arith.constant 12 : index
    %swap3A_543 = arith.constant 0 : index
    %swap3A_544 = vector.load %arg4[%swap3A_541, %swap3A_542, %swap3A_543] : memref<1x16x512xf32, #tpu.memory_space<vmem>>, vector<1x1x512xf32>
    %swap3A_545 = vector.shape_cast %swap3A_544 : vector<1x1x512xf32> to vector<1x512xf32>
    %swap3A_546 = vector.shape_cast %broadcast_in_dim3A_531 : vector<1x512xf32> to vector<1x1x512xf32>
    tpu.vector_store %arg4[%swap3A_541, %swap3A_542, %swap3A_543], %swap3A_546 {strides = array<i32>} : memref<1x16x512xf32, #tpu.memory_space<vmem>>, vector<1x1x512xf32>,
    %swap3A_547 = arith.constant 0 : index
    %swap3A_548 = arith.constant 12 : index
    %swap3A_549 = arith.constant 0 : index
    %swap3A_550 = vector.load %arg3[%swap3A_547, %swap3A_548, %swap3A_549] : memref<1x16x512xi32, #tpu.memory_space<vmem>>, vector<1x1x512xi32>
    %swap3A_551 = vector.shape_cast %swap3A_550 : vector<1x1x512xi32> to vector<1x512xi32>
    %swap3A_552 = vector.shape_cast %convert_element_type3A_540 : vector<1x512xi32> to vector<1x1x512xi32>
    tpu.vector_store %arg3[%swap3A_547, %swap3A_548, %swap3A_549], %swap3A_552 {strides = array<i32>} : memref<1x16x512xi32, #tpu.memory_space<vmem>>, vector<1x1x512xi32>,
    %mul3A_553 = arith.constant 2048 : i32
    %mul3A_554 = arith.muli %arg0, %mul3A_553 : i32
    %add3A_555 = vector.broadcast %mul3A_554 : i32 to vector<1x512xi32>
    %add3A_556 = arith.addi %convert_element_type3A_540, %add3A_555 : vector<1x512xi32>
    %swap3A_557 = arith.constant 0 : index
    %swap3A_558 = arith.constant 12 : index
    %swap3A_559 = arith.constant 0 : index
    %swap3A_560 = vector.load %arg2[%swap3A_557, %swap3A_558, %swap3A_559] : memref<1x16x512xi32, #tpu.memory_space<vmem>>, vector<1x1x512xi32>
    %swap3A_561 = vector.shape_cast %swap3A_560 : vector<1x1x512xi32> to vector<1x512xi32>
    %swap3A_562 = vector.shape_cast %add3A_556 : vector<1x512xi32> to vector<1x1x512xi32>
    tpu.vector_store %arg2[%swap3A_557, %swap3A_558, %swap3A_559], %swap3A_562 {strides = array<i32>} : memref<1x16x512xi32, #tpu.memory_space<vmem>>, vector<1x1x512xi32>,
    %eq3A_563 = vector.broadcast %broadcast_in_dim3A_539 : vector<1x512xf32> to vector<2048x512xf32>
    %eq3A_564 = arith.cmpf oeq, %convert_element_type3A, %eq3A_563 : vector<2048x512xf32>
    %jit3A_565 = arith.constant 0x7F800000 : f32
    %broadcast_in_dim3A_566 = vector.broadcast %jit3A_565 : f32 to vector<2048x512xf32>
    %select_n3A_567 = arith.select %eq3A_564, %broadcast_in_dim3A_566, %select_n3A_528 : vector<2048x512xi1>, vector<2048x512xf32>
    %reduce_min3A_568 = arith.constant dense<0x7F800000> : vector<512xf32>
    %reduce_min3A_569 = vector.multi_reduction <minimumf>, %select_n3A_567, %reduce_min3A_568 [0] : vector<2048x512xf32> to vector<512xf32>
    %broadcast_in_dim3A_570 = vector.shape_cast %reduce_min3A_569 : vector<512xf32> to vector<1x512xf32>
    %eq3A_571 = vector.broadcast %broadcast_in_dim3A_570 : vector<1x512xf32> to vector<2048x512xf32>
    %eq3A_572 = arith.cmpf oeq, %select_n3A_567, %eq3A_571 : vector<2048x512xf32>
    %jit3A_573 = arith.constant 2.048000e+03 : f32
    %broadcast_in_dim3A_574 = vector.broadcast %jit3A_573 : f32 to vector<2048x512xf32>
    %select_n3A_575 = arith.select %eq3A_572, %convert_element_type3A, %broadcast_in_dim3A_574 : vector<2048x512xi1>, vector<2048x512xf32>
    %reduce_min3A_576 = arith.constant dense<0x7F800000> : vector<512xf32>
    %reduce_min3A_577 = vector.multi_reduction <minimumf>, %select_n3A_575, %reduce_min3A_576 [0] : vector<2048x512xf32> to vector<512xf32>
    %broadcast_in_dim3A_578 = vector.shape_cast %reduce_min3A_577 : vector<512xf32> to vector<1x512xf32>
    %convert_element_type3A_579 = arith.fptosi %broadcast_in_dim3A_578 : vector<1x512xf32> to vector<1x512xi32>
    %swap3A_580 = arith.constant 0 : index
    %swap3A_581 = arith.constant 13 : index
    %swap3A_582 = arith.constant 0 : index
    %swap3A_583 = vector.load %arg4[%swap3A_580, %swap3A_581, %swap3A_582] : memref<1x16x512xf32, #tpu.memory_space<vmem>>, vector<1x1x512xf32>
    %swap3A_584 = vector.shape_cast %swap3A_583 : vector<1x1x512xf32> to vector<1x512xf32>
    %swap3A_585 = vector.shape_cast %broadcast_in_dim3A_570 : vector<1x512xf32> to vector<1x1x512xf32>
    tpu.vector_store %arg4[%swap3A_580, %swap3A_581, %swap3A_582], %swap3A_585 {strides = array<i32>} : memref<1x16x512xf32, #tpu.memory_space<vmem>>, vector<1x1x512xf32>,
    %swap3A_586 = arith.constant 0 : index
    %swap3A_587 = arith.constant 13 : index
    %swap3A_588 = arith.constant 0 : index
    %swap3A_589 = vector.load %arg3[%swap3A_586, %swap3A_587, %swap3A_588] : memref<1x16x512xi32, #tpu.memory_space<vmem>>, vector<1x1x512xi32>
    %swap3A_590 = vector.shape_cast %swap3A_589 : vector<1x1x512xi32> to vector<1x512xi32>
    %swap3A_591 = vector.shape_cast %convert_element_type3A_579 : vector<1x512xi32> to vector<1x1x512xi32>
    tpu.vector_store %arg3[%swap3A_586, %swap3A_587, %swap3A_588], %swap3A_591 {strides = array<i32>} : memref<1x16x512xi32, #tpu.memory_space<vmem>>, vector<1x1x512xi32>,
    %mul3A_592 = arith.constant 2048 : i32
    %mul3A_593 = arith.muli %arg0, %mul3A_592 : i32
    %add3A_594 = vector.broadcast %mul3A_593 : i32 to vector<1x512xi32>
    %add3A_595 = arith.addi %convert_element_type3A_579, %add3A_594 : vector<1x512xi32>
    %swap3A_596 = arith.constant 0 : index
    %swap3A_597 = arith.constant 13 : index
    %swap3A_598 = arith.constant 0 : index
    %swap3A_599 = vector.load %arg2[%swap3A_596, %swap3A_597, %swap3A_598] : memref<1x16x512xi32, #tpu.memory_space<vmem>>, vector<1x1x512xi32>
    %swap3A_600 = vector.shape_cast %swap3A_599 : vector<1x1x512xi32> to vector<1x512xi32>
    %swap3A_601 = vector.shape_cast %add3A_595 : vector<1x512xi32> to vector<1x1x512xi32>
    tpu.vector_store %arg2[%swap3A_596, %swap3A_597, %swap3A_598], %swap3A_601 {strides = array<i32>} : memref<1x16x512xi32, #tpu.memory_space<vmem>>, vector<1x1x512xi32>,
    %eq3A_602 = vector.broadcast %broadcast_in_dim3A_578 : vector<1x512xf32> to vector<2048x512xf32>
    %eq3A_603 = arith.cmpf oeq, %convert_element_type3A, %eq3A_602 : vector<2048x512xf32>
    %jit3A_604 = arith.constant 0x7F800000 : f32
    %broadcast_in_dim3A_605 = vector.broadcast %jit3A_604 : f32 to vector<2048x512xf32>
    %select_n3A_606 = arith.select %eq3A_603, %broadcast_in_dim3A_605, %select_n3A_567 : vector<2048x512xi1>, vector<2048x512xf32>
    %reduce_min3A_607 = arith.constant dense<0x7F800000> : vector<512xf32>
    %reduce_min3A_608 = vector.multi_reduction <minimumf>, %select_n3A_606, %reduce_min3A_607 [0] : vector<2048x512xf32> to vector<512xf32>
    %broadcast_in_dim3A_609 = vector.shape_cast %reduce_min3A_608 : vector<512xf32> to vector<1x512xf32>
    %eq3A_610 = vector.broadcast %broadcast_in_dim3A_609 : vector<1x512xf32> to vector<2048x512xf32>
    %eq3A_611 = arith.cmpf oeq, %select_n3A_606, %eq3A_610 : vector<2048x512xf32>
    %jit3A_612 = arith.constant 2.048000e+03 : f32
    %broadcast_in_dim3A_613 = vector.broadcast %jit3A_612 : f32 to vector<2048x512xf32>
    %select_n3A_614 = arith.select %eq3A_611, %convert_element_type3A, %broadcast_in_dim3A_613 : vector<2048x512xi1>, vector<2048x512xf32>
    %reduce_min3A_615 = arith.constant dense<0x7F800000> : vector<512xf32>
    %reduce_min3A_616 = vector.multi_reduction <minimumf>, %select_n3A_614, %reduce_min3A_615 [0] : vector<2048x512xf32> to vector<512xf32>
    %broadcast_in_dim3A_617 = vector.shape_cast %reduce_min3A_616 : vector<512xf32> to vector<1x512xf32>
    %convert_element_type3A_618 = arith.fptosi %broadcast_in_dim3A_617 : vector<1x512xf32> to vector<1x512xi32>
    %swap3A_619 = arith.constant 0 : index
    %swap3A_620 = arith.constant 14 : index
    %swap3A_621 = arith.constant 0 : index
    %swap3A_622 = vector.load %arg4[%swap3A_619, %swap3A_620, %swap3A_621] : memref<1x16x512xf32, #tpu.memory_space<vmem>>, vector<1x1x512xf32>
    %swap3A_623 = vector.shape_cast %swap3A_622 : vector<1x1x512xf32> to vector<1x512xf32>
    %swap3A_624 = vector.shape_cast %broadcast_in_dim3A_609 : vector<1x512xf32> to vector<1x1x512xf32>
    tpu.vector_store %arg4[%swap3A_619, %swap3A_620, %swap3A_621], %swap3A_624 {strides = array<i32>} : memref<1x16x512xf32, #tpu.memory_space<vmem>>, vector<1x1x512xf32>,
    %swap3A_625 = arith.constant 0 : index
    %swap3A_626 = arith.constant 14 : index
    %swap3A_627 = arith.constant 0 : index
    %swap3A_628 = vector.load %arg3[%swap3A_625, %swap3A_626, %swap3A_627] : memref<1x16x512xi32, #tpu.memory_space<vmem>>, vector<1x1x512xi32>
    %swap3A_629 = vector.shape_cast %swap3A_628 : vector<1x1x512xi32> to vector<1x512xi32>
    %swap3A_630 = vector.shape_cast %convert_element_type3A_618 : vector<1x512xi32> to vector<1x1x512xi32>
    tpu.vector_store %arg3[%swap3A_625, %swap3A_626, %swap3A_627], %swap3A_630 {strides = array<i32>} : memref<1x16x512xi32, #tpu.memory_space<vmem>>, vector<1x1x512xi32>,
    %mul3A_631 = arith.constant 2048 : i32
    %mul3A_632 = arith.muli %arg0, %mul3A_631 : i32
    %add3A_633 = vector.broadcast %mul3A_632 : i32 to vector<1x512xi32>
    %add3A_634 = arith.addi %convert_element_type3A_618, %add3A_633 : vector<1x512xi32>
    %swap3A_635 = arith.constant 0 : index
    %swap3A_636 = arith.constant 14 : index
    %swap3A_637 = arith.constant 0 : index
    %swap3A_638 = vector.load %arg2[%swap3A_635, %swap3A_636, %swap3A_637] : memref<1x16x512xi32, #tpu.memory_space<vmem>>, vector<1x1x512xi32>
    %swap3A_639 = vector.shape_cast %swap3A_638 : vector<1x1x512xi32> to vector<1x512xi32>
    %swap3A_640 = vector.shape_cast %add3A_634 : vector<1x512xi32> to vector<1x1x512xi32>
    tpu.vector_store %arg2[%swap3A_635, %swap3A_636, %swap3A_637], %swap3A_640 {strides = array<i32>} : memref<1x16x512xi32, #tpu.memory_space<vmem>>, vector<1x1x512xi32>,
    %eq3A_641 = vector.broadcast %broadcast_in_dim3A_617 : vector<1x512xf32> to vector<2048x512xf32>
    %eq3A_642 = arith.cmpf oeq, %convert_element_type3A, %eq3A_641 : vector<2048x512xf32>
    %jit3A_643 = arith.constant 0x7F800000 : f32
    %broadcast_in_dim3A_644 = vector.broadcast %jit3A_643 : f32 to vector<2048x512xf32>
    %select_n3A_645 = arith.select %eq3A_642, %broadcast_in_dim3A_644, %select_n3A_606 : vector<2048x512xi1>, vector<2048x512xf32>
    %reduce_min3A_646 = arith.constant dense<0x7F800000> : vector<512xf32>
    %reduce_min3A_647 = vector.multi_reduction <minimumf>, %select_n3A_645, %reduce_min3A_646 [0] : vector<2048x512xf32> to vector<512xf32>
    %broadcast_in_dim3A_648 = vector.shape_cast %reduce_min3A_647 : vector<512xf32> to vector<1x512xf32>
    %eq3A_649 = vector.broadcast %broadcast_in_dim3A_648 : vector<1x512xf32> to vector<2048x512xf32>
    %eq3A_650 = arith.cmpf oeq, %select_n3A_645, %eq3A_649 : vector<2048x512xf32>
    %jit3A_651 = arith.constant 2.048000e+03 : f32
    %broadcast_in_dim3A_652 = vector.broadcast %jit3A_651 : f32 to vector<2048x512xf32>
    %select_n3A_653 = arith.select %eq3A_650, %convert_element_type3A, %broadcast_in_dim3A_652 : vector<2048x512xi1>, vector<2048x512xf32>
    %reduce_min3A_654 = arith.constant dense<0x7F800000> : vector<512xf32>
    %reduce_min3A_655 = vector.multi_reduction <minimumf>, %select_n3A_653, %reduce_min3A_654 [0] : vector<2048x512xf32> to vector<512xf32>
    %broadcast_in_dim3A_656 = vector.shape_cast %reduce_min3A_655 : vector<512xf32> to vector<1x512xf32>
    %convert_element_type3A_657 = arith.fptosi %broadcast_in_dim3A_656 : vector<1x512xf32> to vector<1x512xi32>
    %swap3A_658 = arith.constant 0 : index
    %swap3A_659 = arith.constant 15 : index
    %swap3A_660 = arith.constant 0 : index
    %swap3A_661 = vector.load %arg4[%swap3A_658, %swap3A_659, %swap3A_660] : memref<1x16x512xf32, #tpu.memory_space<vmem>>, vector<1x1x512xf32>
    %swap3A_662 = vector.shape_cast %swap3A_661 : vector<1x1x512xf32> to vector<1x512xf32>
    %swap3A_663 = vector.shape_cast %broadcast_in_dim3A_648 : vector<1x512xf32> to vector<1x1x512xf32>
    tpu.vector_store %arg4[%swap3A_658, %swap3A_659, %swap3A_660], %swap3A_663 {strides = array<i32>} : memref<1x16x512xf32, #tpu.memory_space<vmem>>, vector<1x1x512xf32>,
    %swap3A_664 = arith.constant 0 : index
    %swap3A_665 = arith.constant 15 : index
    %swap3A_666 = arith.constant 0 : index
    %swap3A_667 = vector.load %arg3[%swap3A_664, %swap3A_665, %swap3A_666] : memref<1x16x512xi32, #tpu.memory_space<vmem>>, vector<1x1x512xi32>
    %swap3A_668 = vector.shape_cast %swap3A_667 : vector<1x1x512xi32> to vector<1x512xi32>
    %swap3A_669 = vector.shape_cast %convert_element_type3A_657 : vector<1x512xi32> to vector<1x1x512xi32>
    tpu.vector_store %arg3[%swap3A_664, %swap3A_665, %swap3A_666], %swap3A_669 {strides = array<i32>} : memref<1x16x512xi32, #tpu.memory_space<vmem>>, vector<1x1x512xi32>,
    %mul3A_670 = arith.constant 2048 : i32
    %mul3A_671 = arith.muli %arg0, %mul3A_670 : i32
    %add3A_672 = vector.broadcast %mul3A_671 : i32 to vector<1x512xi32>
    %add3A_673 = arith.addi %convert_element_type3A_657, %add3A_672 : vector<1x512xi32>
    %swap3A_674 = arith.constant 0 : index
    %swap3A_675 = arith.constant 15 : index
    %swap3A_676 = arith.constant 0 : index
    %swap3A_677 = vector.load %arg2[%swap3A_674, %swap3A_675, %swap3A_676] : memref<1x16x512xi32, #tpu.memory_space<vmem>>, vector<1x1x512xi32>
    %swap3A_678 = vector.shape_cast %swap3A_677 : vector<1x1x512xi32> to vector<1x512xi32>
    %swap3A_679 = vector.shape_cast %add3A_673 : vector<1x512xi32> to vector<1x1x512xi32>
    tpu.vector_store %arg2[%swap3A_674, %swap3A_675, %swap3A_676], %swap3A_679 {strides = array<i32>} : memref<1x16x512xi32, #tpu.memory_space<vmem>>, vector<1x1x512xi32>,
    return
  }
  func.func @transform_0(%arg0: i32) -> (i32, i32, i32) {
    %c0_i32 = arith.constant 0 : i32
    %c0_i32_0 = arith.constant 0 : i32
    %c0_i32_1 = arith.constant 0 : i32
    return %arg0, %c0_i32, %c0_i32_0 : i32, i32, i32
  }
  func.func @transform_1(%arg0: i32) -> (i32, i32, i32) {
    %c0_i32 = arith.constant 0 : i32
    %c0_i32_0 = arith.constant 0 : i32
    %c0_i32_1 = arith.constant 0 : i32
    return %arg0, %c0_i32, %c0_i32_0 : i32, i32, i32
  }
  func.func @transform_2(%arg0: i32) -> (i32, i32, i32) {
    %c0_i32 = arith.constant 0 : i32
    %c0_i32_0 = arith.constant 0 : i32
    %c0_i32_1 = arith.constant 0 : i32
    return %arg0, %c0_i32, %c0_i32_0 : i32, i32, i32
  }
  func.func @transform_3(%arg0: i32) -> (i32, i32, i32) {
    %c0_i32 = arith.constant 0 : i32
    %c0_i32_0 = arith.constant 0 : i32
    %c0_i32_1 = arith.constant 0 : i32
    return %arg0, %c0_i32, %c0_i32_0 : i32, i32, i32
  }
}

</mosaic_0001>

<sc_bundles>
// kernel: kernel.4.cloned.1.call-start
scs
__scs_entry_jumppad:
0x0: {  	(pc) =	sbr.rel $0x88, $3  }
0x1: {  	(tag) =	ssettag $0x0;
	lr =	simm.s32 $0x1  }
0x2: {  	[smem:$0x3F9F] =	sst lr;
	_ =	strace $0xD0000000  }
0x3: {  	_ = 	snop  }
0x4: {  	_ = 	snop  }
0x5: {  	_ = 	snop  }
0x6: {  	_ = 	snop  }
0x7: {  	_ = 	snop  }
__scs_overlays_trampoline_lowered:
0x8: {  	[smem:$0x3FAE] =	sst s0  }
0x9: {  	[smem:$0x3FAF] =	sst s1  }
0xa: {  	[smem:$0x3FB0] =	sst s2  }
0xb: {  	[smem:$0x3FB1] =	sst s3  }
0xc: {  	[smem:$0x3FB2] =	sst s4  }
0xd: {  	[smem:$0x3FB3] =	sst s5  }
0xe: {  	[smem:$0x3FB4] =	sst s6  }
0xf: {  	[smem:$0x3FB5] =	sst s7  }
0x10: {  	[smem:$0x3FB6] =	sst s8  }
0x11: {  	[smem:$0x3FB7] =	sst s9;
	s0 =	simm.s32 @!p0 $0x0  }
0x12: {  	s1 =	sld [smem:$0x3F9D];
	s0 =	simm.s32 @p0 $0x1  }
0x13: {  	[smem:$0x3FB8] =	sst s0;
	s0 =	simm.s32 @!p1 $0x0  }
0x14: {  	s2 =	sld [smem:$0x3F9C];
	s0 =	simm.s32 @p1 $0x1  }
0x15: {  	[smem:$0x3FB9] =	sst s0;
	s0 =	simm.s32 @!p2 $0x0  }
0x16: {  	s3 =	sld [smem:$0x3FDB];
	s0 =	simm.s32 @p2 $0x1  }
0x17: {  	s4 =	simm.s32 $0x1BF5;
	[smem:$0x3FBB] =	sst s0  }
0x18: {  	s0 =	sld [smem:$0x3F9E];
	_ =	swait.ge [sflag:s4], $0x0  }
0x19: {  	s7 =	sld [smem:$0x3F9F]  }
0x1a: {  	s8 =	sadd.s32 $0xFFFFE003, lr  }
0x1b: {  	s9 =	sadd.s32 $0xFFFFFEF7, lr;
	s5 =	simm.s32 $0xFFFFFFFF;
	p2 =	slt.u32 s8, $0xFFFFF086  }
0x1c: {  	p1 =	slt.u32 s9, $0xF7A;
	s5 =	simm.s32 @!p2 $0x0  }
0x1d: {  	s5 =	simm.s32 @p1 $0x1;
	p0 =	seq.s32 s7, s2  }
0x1e: {  	s7 =	smul.u32 @!p0 $0xF7A, s2;
	p2 =	seq.s32 @!p0 s5, $0x0  }
0x1f: {  	s9 =	smul.u32 $0xF7A, s1;
	s8 =	simm.s32 @!p0 $0x1BF5;
	p2 =	por !p2, p0  }
0x20: {  	[sflag:s8] =	ssyncset.s32 @!p0 $0xFFFFF086;
	s6 =	sadd.s32 @!p0 s3, s7;
	s7 =	simm.s32 @!p0 $0x108  }
0x21: {  	s3 =	sadd.s32 s3, s9;
	s6 =	sadd.s32 @!p0 $0x88, s6;
	s7 =	simm.s32 @p2 $0x1082  }
0x22: {  	[simem:s7], [sflag:s8] =	dma.local @!p0 [hbm:s6], $0xF7A  }
0x23: {  	s9 =	sor.u32 $0xD0000000, s2;
	s6 =	simm.s32 $0x108;
	_ =	swait.ge @!p0 [sflag:s8], $0x0  }
0x24: {  	s3 =	sadd.s32 $0x88, s3;
	s6 =	simm.s32 @!p1 $0x1082;
	[sflag:s4] =	ssyncset.s32 $0xFFFFF086  }
0x25: {  	[simem:s6], [sflag:s4] =	dma.local [hbm:s3], $0xF7A  }
0x26: {  	[smem:$0x3F9F] =	sst s1;
	(tag) =	ssettag s2;
	_ =	strace s9  }
0x27: {  	s1 =	sld [smem:$0x3FAF]  }
0x28: {  	s2 =	sld [smem:$0x3FB0]  }
0x29: {  	s4 =	sld [smem:$0x3FB2]  }
0x2a: {  	p0 =	seq.s32 s5, $0x0;
	s5 =	sld [smem:$0x3FB3]  }
0x2b: {  	s6 =	sld [smem:$0x3FB4]  }
0x2c: {  	s7 =	sld [smem:$0x3FB5]  }
0x2d: {  	s3 =	simm.s32 $0x108;
	s8 =	sld [smem:$0x3FB6]  }
0x2e: {  	s3 =	simm.s32 @!p0 $0x1082;
	s9 =	sld [smem:$0x3FB7]  }
0x2f: {  	lr =	sadd.s32 s0, s3;
	s0 =	sld [smem:$0x3FAE]  }
0x30: {  	s3 =	sld [smem:$0x3FB1]  }
0x31: {  	[smem:$0x3FBA] =	sst s10  }
0x32: {  	s10 =	sld [smem:$0x3FB8];
	_ =	sdelay $0x3  }
0x33: {  	p0 =	seq.s32 s10, $0x1;
	s10 =	sld [smem:$0x3FBA];
	_ =	sdelay $0x3  }
0x34: {  	[smem:$0x3FBA] =	sst s10  }
0x35: {  	s10 =	sld [smem:$0x3FB9];
	_ =	sdelay $0x3  }
0x36: {  	p1 =	seq.s32 s10, $0x1;
	s10 =	sld [smem:$0x3FBA];
	_ =	sdelay $0x3  }
0x37: {  	[smem:$0x3FBA] =	sst s10  }
0x38: {  	s10 =	sld [smem:$0x3FBB]  }
0x39: {  	_ = 	snop;
	(pc) =	sbr.ind lr, $3  }
0x3a: {  	_ = 	snop  }
0x3b: {  	_ = 	snop  }
0x3c: {  	p2 =	seq.s32 s10, $0x1;
	s10 =	sld [smem:$0x3FBA]  }
0x3d: {  	_ =	shalt  }
0x3e: {  	_ =	shalt  }
0x3f: {  	_ =	shalt  }
0x40: {  	_ =	shalt  }
0x41: {  	_ =	shalt  }
0x42: {  	_ =	shalt  }
0x43: {  	_ =	shalt  }
0x44: {  	_ =	shalt  }
0x45: {  	_ =	shalt  }
0x46: {  	_ =	shalt  }
0x47: {  	_ =	shalt  }
0x48: {  	_ =	shalt  }
0x49: {  	_ =	shalt  }
0x4a: {  	_ =	shalt  }
0x4b: {  	_ =	shalt  }
0x4c: {  	_ =	shalt  }
0x4d: {  	_ =	shalt  }
0x4e: {  	_ =	shalt  }
0x4f: {  	_ =	shalt  }
0x50: {  	_ =	shalt  }
0x51: {  	_ =	shalt  }
0x52: {  	_ =	shalt  }
0x53: {  	_ =	shalt  }
0x54: {  	_ =	shalt  }
0x55: {  	_ =	shalt  }
0x56: {  	_ =	shalt  }
0x57: {  	_ =	shalt  }
0x58: {  	_ =	shalt  }
0x59: {  	_ =	shalt  }
0x5a: {  	_ =	shalt  }
0x5b: {  	_ =	shalt  }
0x5c: {  	_ =	shalt  }
0x5d: {  	_ =	shalt  }
0x5e: {  	_ =	shalt  }
0x5f: {  	_ =	shalt  }
0x60: {  	_ =	shalt  }
0x61: {  	_ =	shalt  }
0x62: {  	_ =	shalt  }
0x63: {  	_ =	shalt  }
0x64: {  	_ =	shalt  }
0x65: {  	_ =	shalt  }
0x66: {  	_ =	shalt  }
0x67: {  	_ =	shalt  }
0x68: {  	_ =	shalt  }
0x69: {  	_ =	shalt  }
0x6a: {  	_ =	shalt  }
0x6b: {  	_ =	shalt  }
0x6c: {  	_ =	shalt  }
0x6d: {  	_ =	shalt  }
0x6e: {  	_ =	shalt  }
0x6f: {  	_ =	shalt  }
0x70: {  	_ =	shalt  }
0x71: {  	_ =	shalt  }
0x72: {  	_ =	shalt  }
0x73: {  	_ =	shalt  }
0x74: {  	_ =	shalt  }
0x75: {  	_ =	shalt  }
0x76: {  	_ =	shalt  }
0x77: {  	_ =	shalt  }
0x78: {  	_ =	shalt  }
0x79: {  	_ =	shalt  }
0x7a: {  	_ =	shalt  }
0x7b: {  	_ =	shalt  }
0x7c: {  	_ =	shalt  }
0x7d: {  	_ =	shalt  }
0x7e: {  	_ =	shalt  }
0x7f: {  	_ =	shalt  }
0x80: {  	_ =	shalt  }
0x81: {  	_ =	shalt  }
0x82: {  	_ =	shalt  }
0x83: {  	_ =	shalt  }
0x84: {  	_ =	shalt  }
0x85: {  	_ =	shalt  }
0x86: {  	_ =	shalt  }
0x87: {  	_ =	shalt  }
.Lfunc_end0:
.L_simem_size_0:
called_computation_lowered:
.L_overlay_start_0:
0x88: {  	s2 =	sld [smem:$0x3FD9]  }
0x89: {  	s3 =	sld [smem:$0x3FFE];
	_ =	sdelay $0x1  }
0x8a: {  	s1 =	srdreg.scid  }
0x8b: {  	s0 =	sand.u32 $0x1, s1  }
0x8c: {  	s15 =	sshll.u32 s0, $0xA;
	s2 =	sadd.s32 s3, s2  }
0x8d: {  	s2 =	sadd.s32 s2, s15  }
0x8e: {  	[smem:$0x3FC6] =	sst s2  }
0x8f: {  	_ = 	snop  }
0x90: {  	s2 =	sld [smem:$0x3FD0];
	_ =	sdelay $0x2  }
0x91: {  	s4 =	simm.s32 $0xA;
	s5 =	simm.s32 $0x10;
	s16 =	sld [smem:$0x3FC8]  }
0x92: {  	[smem:s5], [sflag:s4] =	dma.local [hbm:s2], $0x1  }
0x93: {  	_ =	swait.eq [sflag:s4], $0x1  }
0x94: {  	[sflag:s4] =	ssyncset.done $0x0  }
0x95: {  	s17 =	sld [smem:$0x10];
	[sflag:s4] =	ssyncadd.s32 $0xFFFFFFFF  }
0x96: {  	s18 =	sld [smem:$0x12];
	(tm) =	ssettm $0x1  }
0x97: {  	s19 =	sld [smem:$0x3FFB];
	_ =	sdelay $0x3  }
0x98: {  	_ =	strace s19  }
0x99: {  	s5 =	sld [smem:$0x3FFC];
	_ =	sdelay $0x3  }
0x9a: {  	_ =	strace s5  }
0x9b: {  	s5 =	sld [smem:$0x3FFD];
	_ =	sdelay $0x3  }
0x9c: {  	_ =	strace s5  }
0x9d: {  	_ =	strace $0x8FFFFFFF  }
0x9e: {  	s20 =	sld [smem:$0x3FDB];
	_ =	sdelay $0x1  }
0x9f: {  	s6 =	simm.s32 $_scs_section_size  }
0xa0: {  	s7 =	simm.s32 $_size__tile_overlayer_lowered;
	s8 =	simm.s32 $_tile_overlayer_lowered  }
0xa1: {  	s23 =	simm.s32 $0x1BFF;
	s22 =	sshll.u32 s8, $0x1;
	s5 =	sadd.s32 s6, s20  }
0xa2: {  	s9 =	simm.s32 $0x0;
	s21 =	sshll.u32 s7, $0x1;
	s7 =	sadd.s32 s22, s5  }
0xa3: {  	[timem:s9], [sflag:s23] =	dma.local [hbm:s7], s21  }
0xa4: {  	_ =	swait.ge [sflag:s23], s21  }
0xa5: {  	s6 =	ssub.s32 $0x0, s21;
	[sflag:s23] =	ssyncset.done $0x0  }
0xa6: {  	[sflag:s23] =	ssyncadd.s32 s6;
	_ =	sdelay $0x1  }
0xa7: {  	s24 =	simm.s32 $0x1B8B  }
0xa8: {  	_ =	swait.ge [sflag:s24], $0x1  }
0xa9: {  	[sflag:s24] =	ssyncset.done $0x0  }
0xaa: {  	s25 =	simm.s32 $0x1B8E;
	[sflag:s24] =	ssyncadd.s32 $0xFFFFFFFF  }
0xab: {  	s26 =	simm.s32 $execute0_lowered;
	[smem:$0x3FD2] =	sst s25  }
0xac: {  	s6 =	sshll.u32 s26, $0x1;
	_ =	strace $0x80000046;
	[dreg:$0x1] =	wrdreg $0xFFFFFFFF  }
0xad: {  	s28 =	simm.s32 $_size_execute0_lowered;
	s5 =	sadd.s32 s5, s6;
	[dreg:$0x0] =	wrdreg $0x0  }
0xae: {  	s6 =	sshll.u32 s28, $0x1;
	[dreg:$0x2] =	wrdreg s5  }
0xaf: {  	[dreg:$0x3] =	wrdreg s6  }
0xb0: {  	[dreg:$0x4] =	wrdreg $0xC0  }
0xb1: {  	_ =	task [dreg:s9], $0x5FFFF  }
0xb2: {  	[dreg:$0x1] =	wrdreg $0xFFFFFFFF  }
0xb3: {  	[dreg:$0x0] =	wrdreg $0x60  }
0xb4: {  	[dreg:$0x2] =	wrdreg s16  }
0xb5: {  	[dreg:$0x3] =	wrdreg s18  }
0xb6: {  	[dreg:$0x4] =	wrdreg s17  }
0xb7: {  	[dreg:$0x5] =	wrdreg $0x9  }
0xb8: {  	_ =	task.clear_ibuf [dreg:s9], $0x6FFFF;
	_ =	strace $0x90000046  }
0xb9: {  	s29 =	simm.s32 $0x9;
	_ =	strace $0x80000048  }
0xba: {  	_ =	swait.ge [sflag:s29], $0x1  }
0xbb: {  	[sflag:s29] =	ssyncadd.s32 $0xFFFFFFFF  }
0xbc: {  	_ =	strace $0x90000048  }
0xbd: {  	_ =	sfence  }
0xbe: {  	s30 =	sld [smem:$0x0];
	_ =	sdelay $0x2  }
0xbf: {  	s31 =	sshll.u32 s1, $0xD;
	s1 =	sshrl.u32 s1, $0x2  }
0xc0: {  	s3 =	sand.u32 $0x4000, s31;
	s1 =	sadd.s32 s1, s30  }
0xc1: {  	s0 =	sor.u32 s3, s0;
	s1 =	sshll.u32 s1, $0x11  }
0xc2: {  	s0 =	sor.u32 s1, s0  }
0xc3: {  	s0 =	sadd.s32 $0x8F2B, s0  }
0xc4: {  	[sflag:s0] =	ssyncadd.remote.s32 $0x1  }
0xc5: {  	_ =	sfence.sel $0xFFFF  }
0xc6: {  	[dreg:$0x0] =	wrdreg $0xFFFFFFFF;
	(pc) =	sbr.abs _section_cstart, $3  }
0xc7: {  	[dreg:$0x1] =	wrdreg $0xFFFFFFFF  }
0xc8: {  	_ =	task.clear_ibuf [dreg:s9], $0x2FFFF;
	_ =	strace $0x9FFFFFFF  }
0xc9: {  	(tm) =	ssettm $0x7FFFFFFF  }
tec
execute0_lowered:
.L_overlay_start_1:
0x0: {  	(tag) =	ssettag $0x1  }
0x1: {  	s1 =	rddreg [dreg:$0x0];
	s2 =	srdreg.scid  }
0x2: {  	s4 =	rddreg [dreg:$0x1];
	s0 =	stileid.u32;
	s24 =	sand.u32 $0x1, s2  }
0x3: {  	s10 =	rddreg [dreg:$0x2];
	s5 =	sshll.u32 s0, $0xB;
	s6 =	sshll.u32 s24, $0xA  }
0x4: {  	s3 =	simm.s32 $0x0;
	s2 =	rddreg [dreg:$0x3];
	s11 =	sor.u32 s6, s5  }
0x5: {  	[smem:$0x7FF] =	sst s3;
	s5 =	sshrl.u32 s11, $0x3  }
0x6: {  	_ =	strace $0x80000047;
	s5 =	sadd.s32 s4, s5;
	s4 =	simm.s32 $0x3  }
0x7: {  	[tilespmem:s3], [sflag:$0x3] =	stream.linear.gather [hbm4b:s5+s3], $0x400, $0x38;
	[tilespmem:$0x8400] =	vst v63  }
0x8: {  	_ =	swait.ge [sflag:s4], $0x400  }
0x9: {  	[sflag:s4] =	ssyncset.done $0x0  }
0xa: {  	s7 =	simm.s32 $0x400;
	s6 =	simm.s32 $0x80;
	[sflag:s4] =	ssyncadd.s32 $0xFFFFFC00  }
0xb: {  	[tilespmem:s7], [sflag:$0x1] =	stream.indirect.gather [hbm4b:s1+s6], $0x80, s3, s6, $0xb8;
	[tilespmem:$0x8400] =	vst v63  }
0xc: {  	s8 =	simm.s32 $0x4400;
	s9 =	simm.s32 $0x1  }
0xd: {  	[tilespmem:s8], [sflag:$0x2] =	stream.indirect.gather [hbm4b:s1+s6], $0x80, s6, s6, $0xb8;
	[tilespmem:$0x8400] =	vst v63  }
0xe: {  	_ =	swait.ge [sflag:s9], $0x4000  }
0xf: {  	s11 =	sshll.u32 s11, $0x4;
	[sflag:s9] =	ssyncset.done $0x0  }
0x10: {  	s10 =	sadd.s32 s10, s11;
	[sflag:s9] =	ssyncadd.s32 $0xFFFFC000  }
0x11: {  	[hbm4b:s10+s3] =	stream.linear.scatter [tilespmem:s7], [sflag:$0x3], $0x4000, $0x38;
	[tilespmem:$0x8400] =	vst v63  }
0x12: {  	_ =	swait.ge [sflag:s4], $0x4000  }
0x13: {  	[sflag:s4] =	ssyncset.done $0x0  }
0x14: {  	s12 =	simm.s32 $0x2;
	s11 =	simm.s32 $0x100;
	[sflag:s4] =	ssyncadd.s32 $0xFFFFC000  }
0x15: {  	[tilespmem:s7], [sflag:$0x1] =	stream.indirect.gather [hbm4b:s1+s6], $0x80, s11, s6, $0xb8;
	[tilespmem:$0x8400] =	vst v63  }
0x16: {  	_ =	swait.ge [sflag:s12], $0x4000  }
0x17: {  	[sflag:s12] =	ssyncset.done $0x0  }
0x18: {  	s13 =	sadd.s32 $0x800, s10;
	[sflag:s12] =	ssyncadd.s32 $0xFFFFC000  }
0x19: {  	[hbm4b:s13+s3] =	stream.linear.scatter [tilespmem:s8], [sflag:$0x3], $0x4000, $0x38;
	[tilespmem:$0x8400] =	vst v63  }
0x1a: {  	_ =	swait.ge [sflag:s4], $0x4000  }
0x1b: {  	[sflag:s4] =	ssyncset.done $0x0  }
0x1c: {  	s14 =	simm.s32 $0x180;
	[sflag:s4] =	ssyncadd.s32 $0xFFFFC000  }
0x1d: {  	[tilespmem:s8], [sflag:$0x2] =	stream.indirect.gather [hbm4b:s1+s6], $0x80, s14, s6, $0xb8;
	[tilespmem:$0x8400] =	vst v63  }
0x1e: {  	_ =	swait.ge [sflag:s9], $0x4000  }
0x1f: {  	[sflag:s9] =	ssyncset.done $0x0  }
0x20: {  	s15 =	sadd.s32 $0x1000, s10;
	[sflag:s9] =	ssyncadd.s32 $0xFFFFC000  }
0x21: {  	[hbm4b:s15+s3] =	stream.linear.scatter [tilespmem:s7], [sflag:$0x3], $0x4000, $0x38;
	[tilespmem:$0x8400] =	vst v63  }
0x22: {  	_ =	swait.ge [sflag:s4], $0x4000  }
0x23: {  	[sflag:s4] =	ssyncset.done $0x0  }
0x24: {  	s16 =	simm.s32 $0x200;
	[sflag:s4] =	ssyncadd.s32 $0xFFFFC000  }
0x25: {  	[tilespmem:s7], [sflag:$0x1] =	stream.indirect.gather [hbm4b:s1+s6], $0x80, s16, s6, $0xb8;
	[tilespmem:$0x8400] =	vst v63  }
0x26: {  	_ =	swait.ge [sflag:s12], $0x4000  }
0x27: {  	[sflag:s12] =	ssyncset.done $0x0  }
0x28: {  	s17 =	sadd.s32 $0x1800, s10;
	[sflag:s12] =	ssyncadd.s32 $0xFFFFC000  }
0x29: {  	[hbm4b:s17+s3] =	stream.linear.scatter [tilespmem:s8], [sflag:$0x3], $0x4000, $0x38;
	[tilespmem:$0x8400] =	vst v63  }
0x2a: {  	_ =	swait.ge [sflag:s4], $0x4000  }
0x2b: {  	[sflag:s4] =	ssyncset.done $0x0  }
0x2c: {  	s18 =	simm.s32 $0x280;
	[sflag:s4] =	ssyncadd.s32 $0xFFFFC000  }
0x2d: {  	[tilespmem:s8], [sflag:$0x2] =	stream.indirect.gather [hbm4b:s1+s6], $0x80, s18, s6, $0xb8;
	[tilespmem:$0x8400] =	vst v63  }
0x2e: {  	_ =	swait.ge [sflag:s9], $0x4000  }
0x2f: {  	[sflag:s9] =	ssyncset.done $0x0  }
0x30: {  	s19 =	sadd.s32 $0x2000, s10;
	[sflag:s9] =	ssyncadd.s32 $0xFFFFC000  }
0x31: {  	[hbm4b:s19+s3] =	stream.linear.scatter [tilespmem:s7], [sflag:$0x3], $0x4000, $0x38;
	[tilespmem:$0x8400] =	vst v63  }
0x32: {  	_ =	swait.ge [sflag:s4], $0x4000  }
0x33: {  	[sflag:s4] =	ssyncset.done $0x0  }
0x34: {  	s20 =	simm.s32 $0x300;
	[sflag:s4] =	ssyncadd.s32 $0xFFFFC000  }
0x35: {  	[tilespmem:s7], [sflag:$0x1] =	stream.indirect.gather [hbm4b:s1+s6], $0x80, s20, s6, $0xb8;
	[tilespmem:$0x8400] =	vst v63  }
0x36: {  	_ =	swait.ge [sflag:s12], $0x4000  }
0x37: {  	[sflag:s12] =	ssyncset.done $0x0  }
0x38: {  	s21 =	sadd.s32 $0x2800, s10;
	[sflag:s12] =	ssyncadd.s32 $0xFFFFC000  }
0x39: {  	[hbm4b:s21+s3] =	stream.linear.scatter [tilespmem:s8], [sflag:$0x3], $0x4000, $0x38;
	[tilespmem:$0x8400] =	vst v63  }
0x3a: {  	_ =	swait.ge [sflag:s4], $0x4000  }
0x3b: {  	[sflag:s4] =	ssyncset.done $0x0  }
0x3c: {  	s22 =	simm.s32 $0x380;
	[sflag:s4] =	ssyncadd.s32 $0xFFFFC000  }
0x3d: {  	[tilespmem:s8], [sflag:$0x2] =	stream.indirect.gather [hbm4b:s1+s6], $0x80, s22, s6, $0xb8;
	[tilespmem:$0x8400] =	vst v63  }
0x3e: {  	_ =	swait.ge [sflag:s9], $0x4000  }
0x3f: {  	[sflag:s9] =	ssyncset.done $0x0  }
0x40: {  	s24 =	ssub.s32 $0x2, s24;
	s23 =	sadd.s32 $0x3000, s10;
	[sflag:s9] =	ssyncadd.s32 $0xFFFFC000  }
0x41: {  	[hbm4b:s23+s3] =	stream.linear.scatter [tilespmem:s7], [sflag:$0x3], $0x4000, $0x38;
	[tilespmem:$0x8400] =	vst v63  }
0x42: {  	s25 =	sshrl.u32 s24, $0x1;
	_ =	swait.ge [sflag:s4], $0x4000  }
0x43: {  	s25 =	ssub.s32 s24, s25;
	[sflag:s4] =	ssyncset.done $0x0  }
0x44: {  	s25 =	smax.u32 s25, $0x1;
	[sflag:s4] =	ssyncadd.s32 $0xFFFFC000  }
0x45: {  	p0 =	sne.s32 s25, $0x1;
	_ =	swait.ge [sflag:s12], $0x4000  }
.Ltmp0:
0x46: {  	[sflag:s12] =	ssyncset.done $0x0;
	(pc) =	sbr.rel @!p0 .LBB2_2-.Ltmp0, $4  }
0x47: {  	s24 =	sadd.s32 $0x3800, s10;
	[sflag:s12] =	ssyncadd.s32 $0xFFFFC000  }
0x48: {  	[hbm4b:s24+s3] =	stream.linear.scatter [tilespmem:s8], [sflag:$0x3], $0x4000, $0x38;
	[tilespmem:$0x8400] =	vst v63  }
0x49: {  	_ =	swait.ge [sflag:s4], $0x4000  }
0x4a: {  	s25 =	sadd.s32 $0xFFFFFFFF, s25;
	[sflag:s4] =	ssyncset.done $0x0  }
.LBB2_1:
0x4b: {  	p0 =	sne.s32 s25, $0x1;
	s25 =	sadd.s32 $0xFFFFFFFF, s25;
	[sflag:s4] =	ssyncadd.s32 $0xFFFFC000  }
0x4c: {  	[tilespmem:s3], [sflag:$0x3] =	stream.linear.gather [hbm4b:s5+s3], $0x400, $0x38;
	[tilespmem:$0x8400] =	vst v63  }
0x4d: {  	_ =	swait.ge [sflag:s4], $0x400  }
0x4e: {  	[sflag:s4] =	ssyncset.done $0x0  }
0x4f: {  	[sflag:s4] =	ssyncadd.s32 $0xFFFFFC00  }
0x50: {  	[tilespmem:s7], [sflag:$0x1] =	stream.indirect.gather [hbm4b:s1+s6], $0x80, s3, s6, $0xb8;
	[tilespmem:$0x8400] =	vst v63  }
0x51: {  	_ = 	snop  }
0x52: {  	[tilespmem:s8], [sflag:$0x2] =	stream.indirect.gather [hbm4b:s1+s6], $0x80, s6, s6, $0xb8;
	[tilespmem:$0x8400] =	vst v63  }
0x53: {  	_ =	swait.ge [sflag:s9], $0x4000  }
0x54: {  	[sflag:s9] =	ssyncset.done $0x0  }
0x55: {  	[sflag:s9] =	ssyncadd.s32 $0xFFFFC000  }
0x56: {  	[hbm4b:s10+s3] =	stream.linear.scatter [tilespmem:s7], [sflag:$0x3], $0x4000, $0x38;
	[tilespmem:$0x8400] =	vst v63  }
0x57: {  	_ =	swait.ge [sflag:s4], $0x4000  }
0x58: {  	[sflag:s4] =	ssyncset.done $0x0  }
0x59: {  	[sflag:s4] =	ssyncadd.s32 $0xFFFFC000  }
0x5a: {  	[tilespmem:s7], [sflag:$0x1] =	stream.indirect.gather [hbm4b:s1+s6], $0x80, s11, s6, $0xb8;
	[tilespmem:$0x8400] =	vst v63  }
0x5b: {  	_ =	swait.ge [sflag:s12], $0x4000  }
0x5c: {  	[sflag:s12] =	ssyncset.done $0x0  }
0x5d: {  	[sflag:s12] =	ssyncadd.s32 $0xFFFFC000  }
0x5e: {  	[hbm4b:s13+s3] =	stream.linear.scatter [tilespmem:s8], [sflag:$0x3], $0x4000, $0x38;
	[tilespmem:$0x8400] =	vst v63  }
0x5f: {  	_ =	swait.ge [sflag:s4], $0x4000  }
0x60: {  	[sflag:s4] =	ssyncset.done $0x0  }
0x61: {  	[sflag:s4] =	ssyncadd.s32 $0xFFFFC000  }
0x62: {  	[tilespmem:s8], [sflag:$0x2] =	stream.indirect.gather [hbm4b:s1+s6], $0x80, s14, s6, $0xb8;
	[tilespmem:$0x8400] =	vst v63  }
0x63: {  	_ =	swait.ge [sflag:s9], $0x4000  }
0x64: {  	[sflag:s9] =	ssyncset.done $0x0  }
0x65: {  	[sflag:s9] =	ssyncadd.s32 $0xFFFFC000  }
0x66: {  	[hbm4b:s15+s3] =	stream.linear.scatter [tilespmem:s7], [sflag:$0x3], $0x4000, $0x38;
	[tilespmem:$0x8400] =	vst v63  }
0x67: {  	_ =	swait.ge [sflag:s4], $0x4000  }
0x68: {  	[sflag:s4] =	ssyncset.done $0x0  }
0x69: {  	[sflag:s4] =	ssyncadd.s32 $0xFFFFC000  }
0x6a: {  	[tilespmem:s7], [sflag:$0x1] =	stream.indirect.gather [hbm4b:s1+s6], $0x80, s16, s6, $0xb8;
	[tilespmem:$0x8400] =	vst v63  }
0x6b: {  	_ =	swait.ge [sflag:s12], $0x4000  }
0x6c: {  	[sflag:s12] =	ssyncset.done $0x0  }
0x6d: {  	[sflag:s12] =	ssyncadd.s32 $0xFFFFC000  }
0x6e: {  	[hbm4b:s17+s3] =	stream.linear.scatter [tilespmem:s8], [sflag:$0x3], $0x4000, $0x38;
	[tilespmem:$0x8400] =	vst v63  }
0x6f: {  	_ =	swait.ge [sflag:s4], $0x4000  }
0x70: {  	[sflag:s4] =	ssyncset.done $0x0  }
0x71: {  	[sflag:s4] =	ssyncadd.s32 $0xFFFFC000  }
0x72: {  	[tilespmem:s8], [sflag:$0x2] =	stream.indirect.gather [hbm4b:s1+s6], $0x80, s18, s6, $0xb8;
	[tilespmem:$0x8400] =	vst v63  }
0x73: {  	_ =	swait.ge [sflag:s9], $0x4000  }
0x74: {  	[sflag:s9] =	ssyncset.done $0x0  }
0x75: {  	[sflag:s9] =	ssyncadd.s32 $0xFFFFC000  }
0x76: {  	[hbm4b:s19+s3] =	stream.linear.scatter [tilespmem:s7], [sflag:$0x3], $0x4000, $0x38;
	[tilespmem:$0x8400] =	vst v63  }
0x77: {  	_ =	swait.ge [sflag:s4], $0x4000  }
0x78: {  	[sflag:s4] =	ssyncset.done $0x0  }
0x79: {  	[sflag:s4] =	ssyncadd.s32 $0xFFFFC000  }
0x7a: {  	[tilespmem:s7], [sflag:$0x1] =	stream.indirect.gather [hbm4b:s1+s6], $0x80, s20, s6, $0xb8;
	[tilespmem:$0x8400] =	vst v63  }
0x7b: {  	_ =	swait.ge [sflag:s12], $0x4000  }
0x7c: {  	[sflag:s12] =	ssyncset.done $0x0  }
0x7d: {  	[sflag:s12] =	ssyncadd.s32 $0xFFFFC000  }
0x7e: {  	[hbm4b:s21+s3] =	stream.linear.scatter [tilespmem:s8], [sflag:$0x3], $0x4000, $0x38;
	[tilespmem:$0x8400] =	vst v63  }
0x7f: {  	_ =	swait.ge [sflag:s4], $0x4000  }
0x80: {  	[sflag:s4] =	ssyncset.done $0x0  }
0x81: {  	[sflag:s4] =	ssyncadd.s32 $0xFFFFC000  }
0x82: {  	[tilespmem:s8], [sflag:$0x2] =	stream.indirect.gather [hbm4b:s1+s6], $0x80, s22, s6, $0xb8;
	[tilespmem:$0x8400] =	vst v63  }
0x83: {  	_ =	swait.ge [sflag:s9], $0x4000  }
0x84: {  	[sflag:s9] =	ssyncset.done $0x0  }
0x85: {  	[sflag:s9] =	ssyncadd.s32 $0xFFFFC000  }
0x86: {  	[hbm4b:s23+s3] =	stream.linear.scatter [tilespmem:s7], [sflag:$0x3], $0x4000, $0x38;
	[tilespmem:$0x8400] =	vst v63  }
0x87: {  	_ =	swait.ge [sflag:s4], $0x4000  }
0x88: {  	[sflag:s4] =	ssyncset.done $0x0  }
0x89: {  	[sflag:s4] =	ssyncadd.s32 $0xFFFFC000  }
0x8a: {  	_ =	swait.ge [sflag:s12], $0x4000  }
.Ltmp1:
0x8b: {  	[sflag:s12] =	ssyncset.done $0x0;
	(pc) =	sbr.rel @p0 .LBB2_1-.Ltmp1, $4  }
0x8c: {  	[sflag:s12] =	ssyncadd.s32 $0xFFFFC000  }
0x8d: {  	[hbm4b:s24+s3] =	stream.linear.scatter [tilespmem:s8], [sflag:$0x3], $0x4000, $0x38;
	[tilespmem:$0x8400] =	vst v63  }
0x8e: {  	_ =	swait.ge [sflag:s4], $0x4000  }
0x8f: {  	[sflag:s4] =	ssyncset.done $0x0  }
.LBB2_2:
0x90: {  	[sflag:s4] =	ssyncadd.s32 $0xFFFFC000  }
0x91: {  	_ =	sfence.sel $0x180000  }
0x92: {  	[bflag:$0x0] =	sbarrier.arrive $0xFFFF  }
0x93: {  	p0 =	sne.s32 s0, $0x0;
	_ =	strace $0x90000047  }
0x94: {  	s0 =	sadd.s32 @!p0 $0x100000, s2;
	[bflag:$0x2] =	sbarrier.arrive $0xFFFF  }
0x95: {  	[sflag:s0] =	ssyncadd.tile.s32 @!p0 $0x1;
	_ =	shalt  }
.Lfunc_end2:
_tile_overlayer_lowered:
.L_overlay_start_2:
0x96: {  	(tag) =	ssettag $0x2  }
0x97: {  	s0 =	rddreg [dreg:$0x0];
	s2 =	stileid.u32  }
0x98: {  	s1 =	rddreg [dreg:$0x1];
	p0 =	sne.s32 s2, $0x0  }
0x99: {  	s3 =	rddreg [dreg:$0x2];
	[bflag:$0x3] =	sbarrier.arrive $0xFFFF;
	s2 =	simm.s32 @!p0 $0x1C03  }
0x9a: {  	[timem:s3], [sflag:s2] =	dma.local @!p0 [hbm:s0], s1  }
0x9b: {  	s0 =	simm.s32 @!p0 $0x3  }
0x9c: {  	_ =	swait.ge @!p0 [sflag:s0], s1  }
0x9d: {  	s1 =	ssub.s32 @!p0 $0x0, s1;
	[sflag:s0] =	ssyncset.done @!p0 $0x0  }
0x9e: {  	[sflag:s0] =	ssyncadd.s32 @!p0 s1  }
0x9f: {  	[bflag:$0x3] =	sbarrier.arrive $0xFFFF  }
0xa0: {  	_ =	shalt  }

</sc_bundles>
